<compile_context>
chip_gen: v7x
topology: tpu7x:2x2x1
jax: 0.10.2.dev20260603
libtpu: 0.0.44.dev20260713+nightly
codegen_flags: <defaults>
</compile_context>

<pallas_src>
import functools

import jax
import jax.numpy as jnp
from jax import lax
from jax.experimental import pallas as pl
from jax.experimental.pallas import tpu as pltpu
from jax.experimental.pallas import tpu_sc as plsc

N, E, D = 10000, 320000, 128
E2 = 327680
N2 = 10240
NC, NS = 2, 16
NW = NC * NS
EPW = E2 // NW
CH = 128
NCHUNK = EPW // CH
RPT = N2 // NS
BLK = 1024
NBLK = N2 // BLK

_MESH = plsc.VectorSubcoreMesh(core_axis_name="c", subcore_axis_name="s")


_NHB = 8


@functools.partial(
    pl.kernel,
    out_type=jax.ShapeDtypeStruct((NC * N2,), jnp.float32),
    mesh=_MESH,
    scratch_types=[pltpu.VMEM((CH,), jnp.int32)] * _NHB
    + [
        pltpu.VMEM((CH,), jnp.float32),
        pltpu.VMEM_SHARED((N2,), jnp.float32),
    ]
    + [pltpu.SemaphoreType.DMA] * (2 * _NHB),
)
def _sc_hist(dst_hbm, zeros_hbm, deg_hbm, *refs):
    idx = refs[:_NHB]
    ones_v = refs[_NHB]
    acc = refs[_NHB + 1]
    isem = refs[_NHB + 2:_NHB + 2 + _NHB]
    ssem = refs[_NHB + 2 + _NHB:]
    c = lax.axis_index("c")
    s = lax.axis_index("s")
    wid = c * NS + s
    r0 = s * RPT
    pltpu.sync_copy(zeros_hbm.at[pl.ds(r0, RPT)], acc.at[pl.ds(r0, RPT)])
    for k in range(CH // 16):
        ones_v[pl.ds(k * 16, 16)] = jnp.full((16,), 1.0, jnp.float32)
    plsc.subcore_barrier()
    base = wid * EPW

    def eoff(i):
        return pl.multiple_of(base + i * CH, 8)

    def iload(i, p):
        pltpu.async_copy(dst_hbm.at[pl.ds(eoff(i), CH)], idx[p], isem[p])

    def iwait(i, p):
        pltpu.make_async_copy(dst_hbm.at[pl.ds(eoff(i), CH)],
                              idx[p], isem[p]).wait()

    def scatter(i, p):
        pltpu.async_copy(ones_v, acc.at[idx[p]], ssem[p], add=True)

    def swait(i, p):
        pltpu.make_async_copy(ones_v, acc.at[idx[p]], ssem[p]).wait()

    for k in range(4):
        iload(k, k)

    def step(i, p):
        q = (p + 4) % _NHB

        @pl.when(i >= 4)
        def _():
            swait(i - 4, q)

        @pl.when(i + 4 < NCHUNK)
        def _():
            iload(i + 4, q)

        iwait(i, p)
        scatter(i, p)

    def body(j, carry):
        for p in range(_NHB):
            step(_NHB * j + p, p)
        return carry

    lax.fori_loop(0, NCHUNK // _NHB, body, 0)
    for k in range(4):
        i = NCHUNK - 4 + k
        swait(i, i % _NHB)
    plsc.subcore_barrier()
    pltpu.sync_copy(acc.at[pl.ds(r0, RPT)],
                    deg_hbm.at[pl.ds(c * N2 + r0, RPT)])


@functools.partial(
    pl.kernel,
    out_type=jax.ShapeDtypeStruct((NC * N2, D), jnp.float32),
    mesh=_MESH,
    scratch_types=[
        pltpu.VMEM((CH,), jnp.int32),
        pltpu.VMEM((CH,), jnp.int32),
        pltpu.VMEM((CH,), jnp.int32),
        pltpu.VMEM((CH,), jnp.int32),
        pltpu.VMEM((CH, D), jnp.float32),
        pltpu.VMEM((CH, D), jnp.float32),
        pltpu.VMEM_SHARED((N2, D), jnp.float32),
    ] + [pltpu.SemaphoreType.DMA] * 6,
)
def _sc_msg(g_hbm, srcf_hbm, dstf_hbm, zeros_hbm, q_hbm,
            idxs0, idxs1, idxd0, idxd1, rows0, rows1, acc,
            gsem0, gsem1, isem0, isem1, dsem0, dsem1):
    c = lax.axis_index("c")
    s = lax.axis_index("s")
    wid = c * NS + s
    r0 = s * RPT
    pltpu.sync_copy(zeros_hbm.at[pl.ds(r0, RPT)], acc.at[pl.ds(r0, RPT)])
    plsc.subcore_barrier()

    rows = (rows0, rows1)
    idxs = (idxs0, idxs1)
    idxd = (idxd0, idxd1)
    gsem = (gsem0, gsem1)
    isem = (isem0, isem1)
    dsem = (dsem0, dsem1)
    base = wid * EPW

    def eoff(i):
        return pl.multiple_of(base + i * CH, 8)

    pltpu.sync_copy(srcf_hbm.at[pl.ds(eoff(0), CH)], idxs0)
    pltpu.async_copy(dstf_hbm.at[pl.ds(eoff(0), CH)], idxd0, dsem0)
    pltpu.async_copy(g_hbm.at[idxs0], rows0, gsem0)
    pltpu.async_copy(srcf_hbm.at[pl.ds(eoff(1), CH)], idxs1, isem1)

    def step(i, p):
        pltpu.make_async_copy(g_hbm.at[idxs[p]], rows[p], gsem[p]).wait()

        @pl.when(i + 2 < NCHUNK)
        def _():
            pltpu.async_copy(srcf_hbm.at[pl.ds(eoff(i + 2), CH)],
                             idxs[p], isem[p])

        @pl.when(i + 1 < NCHUNK)
        def _():
            pltpu.make_async_copy(srcf_hbm.at[pl.ds(eoff(i + 1), CH)],
                                  idxs[1 - p], isem[1 - p]).wait()
            pltpu.async_copy(g_hbm.at[idxs[1 - p]], rows[1 - p], gsem[1 - p])
            pltpu.async_copy(dstf_hbm.at[pl.ds(eoff(i + 1), CH)],
                             idxd[1 - p], dsem[1 - p])

        pltpu.make_async_copy(dstf_hbm.at[pl.ds(eoff(i), CH)],
                              idxd[p], dsem[p]).wait()
        pltpu.sync_copy(rows[p], acc.at[idxd[p]], add=True)

    def body(j, carry):
        step(2 * j, 0)
        step(2 * j + 1, 1)
        return carry

    lax.fori_loop(0, NCHUNK // 2, body, 0)
    plsc.subcore_barrier()
    pltpu.sync_copy(acc.at[pl.ds(r0, RPT)],
                    q_hbm.at[pl.ds(c * N2 + r0, RPT)])


def _tc_scale_body(x_ref, w_ref, degp_ref, g_ref, dinv_ref):
    deg = 1.0 + degp_ref[0] + degp_ref[1]
    di = lax.rsqrt(deg)
    h = jnp.dot(x_ref[...], w_ref[...], preferred_element_type=jnp.float32)
    g_ref[...] = h * di
    dinv_ref[...] = di


def _tc_scale(x2, W, degp):
    return pl.pallas_call(
        _tc_scale_body,
        grid=(NBLK,),
        in_specs=[
            pl.BlockSpec((BLK, D), lambda i: (i, 0)),
            pl.BlockSpec((D, D), lambda i: (0, 0)),
            pl.BlockSpec((NC, BLK, 1), lambda i: (0, i, 0)),
        ],
        out_specs=[
            pl.BlockSpec((BLK, D), lambda i: (i, 0)),
            pl.BlockSpec((BLK, 1), lambda i: (i, 0)),
        ],
        out_shape=[
            jax.ShapeDtypeStruct((N2, D), jnp.float32),
            jax.ShapeDtypeStruct((N2, 1), jnp.float32),
        ],
    )(x2, W, degp)


def _tc_combine_body(q0_ref, q1_ref, g_ref, dinv_ref, b_ref, o_ref):
    acc = q0_ref[...] + q1_ref[...] + g_ref[...]
    o_ref[...] = jnp.maximum(acc * dinv_ref[...] + b_ref[...], 0.0)


def _tc_combine(qf, g, dinv, b2):
    return pl.pallas_call(
        _tc_combine_body,
        grid=(NBLK,),
        in_specs=[
            pl.BlockSpec((BLK, D), lambda i: (i, 0)),
            pl.BlockSpec((BLK, D), lambda i: (i + NBLK, 0)),
            pl.BlockSpec((BLK, D), lambda i: (i, 0)),
            pl.BlockSpec((BLK, 1), lambda i: (i, 0)),
            pl.BlockSpec((1, D), lambda i: (0, 0)),
        ],
        out_specs=pl.BlockSpec((BLK, D), lambda i: (i, 0)),
        out_shape=jax.ShapeDtypeStruct((N2, D), jnp.float32),
    )(qf, qf, g, dinv, b2)


def kernel(x, edge_index, W, b):
    pad_idx = N + jnp.arange(E2 - E, dtype=jnp.int32) % (N2 - N)
    ei2 = jnp.concatenate(
        [edge_index, jnp.stack([pad_idx, pad_idx])], axis=1)
    src = ei2[0]
    dst = ei2[1]
    x2 = jnp.pad(x, ((0, N2 - N), (0, 0)))
    z1 = jnp.zeros((N2,), jnp.float32)
    zD = jnp.zeros((N2, D), jnp.float32)

    degp = _sc_hist(dst, z1).reshape(NC, N2, 1)
    g, dinv = _tc_scale(x2, W, degp)
    qf = _sc_msg(g, src, dst, zD)
    out = _tc_combine(qf, g, dinv, b.reshape(1, D))
    return out[:N]

# --- scband reference (transcript-rebuilt; emitter-appended) ---
"""Pipeline reference for scband-gcn-gmm-59442347377128 (READ-ONLY COPY).

The authoritative reference and input builder live on the scoring server;
editing this copy changes nothing except your own understanding.
"""

import jax, jax.numpy as jnp
import numpy as np

N, E, D_IN, D_HID = 10000, 320000, 128, 128


def setup_inputs(seed: int = 0) -> dict:
    key = jax.random.key(seed)
    k1, k2, k3 = jax.random.split(key, 3)
    x = jax.random.normal(k1, (N, D_IN), dtype=jnp.float32)
    edge_index = jax.random.randint(k2, (2, E), 0, N, dtype=jnp.int32)
    # GCNConv learned params (glorot-style init for W, zeros for bias)
    scale = float(np.sqrt(6.0 / (D_IN + D_HID)))
    W = jax.random.uniform(k3, (D_IN, D_HID), dtype=jnp.float32, minval=-scale, maxval=scale)
    b = jnp.zeros((D_HID,), dtype=jnp.float32)
    return {"x": x, "edge_index": edge_index, "W": W, "b": b}


def _gcn_conv(x, edge_index, W, b):
    # Faithful PyG GCNConv: add self-loops, symmetric normalization, linear, scatter-add aggregate, bias.
    n = x.shape[0]
    loops = jnp.arange(n, dtype=edge_index.dtype)
    src = jnp.concatenate([edge_index[0], loops])
    dst = jnp.concatenate([edge_index[1], loops])
    ones = jnp.ones(src.shape[0], dtype=x.dtype)
    deg = jnp.zeros((n,), dtype=x.dtype).at[dst].add(ones)
    deg_inv_sqrt = jnp.where(deg > 0, jax.lax.rsqrt(jnp.maximum(deg, 1e-12)), 0.0)
    norm = deg_inv_sqrt[src] * deg_inv_sqrt[dst]
    h = x @ W
    msg = norm[:, None] * jnp.take(h, src, axis=0)
    out = jnp.zeros((n, h.shape[1]), dtype=x.dtype).at[dst].add(msg)
    return out + b


def reference(x, edge_index, W, b):
    # forward: x = relu(gcn(x, edge_index)); gmm not fitted -> x_gmm is None
    h = jax.nn.relu(_gcn_conv(x, edge_index, W, b))
    return h

if __name__ == "__main__":
    import jax
    _d = setup_inputs()
    print(jax.jit(kernel)(*tuple(_d.values())))

</pallas_src>

<mosaic_0001>
#map = affine_map<(d0, d1) -> (0)>
module attributes {stable_mosaic.version = 14 : i64} {
  func.func @_sc_hist(%arg0: i32, %arg1: i32, %arg2: memref<327680xi32, #tpu.memory_space<hbm>>, %arg3: memref<10240xf32, #tpu.memory_space<hbm>>, %arg4: memref<20480xf32, #tpu.memory_space<hbm>>, %arg5: memref<128xi32, #tpu.memory_space<vmem>>, %arg6: memref<128xi32, #tpu.memory_space<vmem>>, %arg7: memref<128xi32, #tpu.memory_space<vmem>>, %arg8: memref<128xi32, #tpu.memory_space<vmem>>, %arg9: memref<128xi32, #tpu.memory_space<vmem>>, %arg10: memref<128xi32, #tpu.memory_space<vmem>>, %arg11: memref<128xi32, #tpu.memory_space<vmem>>, %arg12: memref<128xi32, #tpu.memory_space<vmem>>, %arg13: memref<128xf32, #tpu.memory_space<vmem>>, %arg14: memref<10240xf32, #tpu.memory_space<vmem_shared>>, %arg15: memref<!tpu.dma_semaphore, #tpu.memory_space<semaphore_mem>>, %arg16: memref<!tpu.dma_semaphore, #tpu.memory_space<semaphore_mem>>, %arg17: memref<!tpu.dma_semaphore, #tpu.memory_space<semaphore_mem>>, %arg18: memref<!tpu.dma_semaphore, #tpu.memory_space<semaphore_mem>>, %arg19: memref<!tpu.dma_semaphore, #tpu.memory_space<semaphore_mem>>, %arg20: memref<!tpu.dma_semaphore, #tpu.memory_space<semaphore_mem>>, %arg21: memref<!tpu.dma_semaphore, #tpu.memory_space<semaphore_mem>>, %arg22: memref<!tpu.dma_semaphore, #tpu.memory_space<semaphore_mem>>, %arg23: memref<!tpu.dma_semaphore, #tpu.memory_space<semaphore_mem>>, %arg24: memref<!tpu.dma_semaphore, #tpu.memory_space<semaphore_mem>>, %arg25: memref<!tpu.dma_semaphore, #tpu.memory_space<semaphore_mem>>, %arg26: memref<!tpu.dma_semaphore, #tpu.memory_space<semaphore_mem>>, %arg27: memref<!tpu.dma_semaphore, #tpu.memory_space<semaphore_mem>>, %arg28: memref<!tpu.dma_semaphore, #tpu.memory_space<semaphore_mem>>, %arg29: memref<!tpu.dma_semaphore, #tpu.memory_space<semaphore_mem>>, %arg30: memref<!tpu.dma_semaphore, #tpu.memory_space<semaphore_mem>>) attributes {dimension_semantics = [#tpu.dimension_semantics<core_parallel>, #tpu.dimension_semantics<subcore_parallel>], iteration_bounds = array<i64: 2, 16>, scalar_prefetch = 0 : i64, scratch_operands = 26 : i64, tpu.core_type = #tpu.core_type<sc_vector_subcore>, window_params = [{transform_indices = #map}, {transform_indices = #map}, {transform_indices = #map}]} {
    %mul3A = arith.constant 16 : i32
    %mul3A_0 = arith.muli %arg0, %mul3A : i32
    %add3A = arith.addi %mul3A_0, %arg1 : i32
    %mul3A_1 = arith.constant 640 : i32
    %mul3A_2 = arith.muli %arg1, %mul3A_1 : i32
    "tpu.region"() ({
      %run_scoped3A = tpu.sem_alloc : memref<!tpu.dma_semaphore, #tpu.memory_space<semaphore_mem>>
      %dma_start3A_85 = tpu.memref_slice %arg14[%mul3A_2] : memref<10240xf32, #tpu.memory_space<vmem_shared>> -> memref<640xf32, #tpu.memory_space<vmem_shared>>
      %dma_start3A_86 = tpu.memref_slice %arg3[%mul3A_2] : memref<10240xf32, #tpu.memory_space<hbm>> -> memref<640xf32, #tpu.memory_space<hbm>>
      tpu.enqueue_dma source(%dma_start3A_86 : memref<640xf32, #tpu.memory_space<hbm>>) target(%dma_start3A_85 : memref<640xf32, #tpu.memory_space<vmem_shared>>) target_semaphore(%run_scoped3A : memref<!tpu.dma_semaphore, #tpu.memory_space<semaphore_mem>>)
      %dma_wait3A_87 = tpu.memref_slice %arg14[%mul3A_2] : memref<10240xf32, #tpu.memory_space<vmem_shared>> -> memref<640xf32, #tpu.memory_space<vmem_shared>>
      %dma_wait3A_88 = tpu.memref_slice %arg3[%mul3A_2] : memref<10240xf32, #tpu.memory_space<hbm>> -> memref<640xf32, #tpu.memory_space<hbm>>
      tpu.wait_dma2 semaphore(%run_scoped3A : memref<!tpu.dma_semaphore, #tpu.memory_space<semaphore_mem>>) src(%dma_wait3A_88 : memref<640xf32, #tpu.memory_space<hbm>>) dst(%dma_wait3A_87 : memref<640xf32, #tpu.memory_space<vmem_shared>>)
      tpu.yield
    }) : () -> ()
    %broadcast_in_dim3A = arith.constant 1.000000e+00 : f32
    %broadcast_in_dim3A_3 = vector.broadcast %broadcast_in_dim3A : f32 to vector<16xf32>
    %swap3A = arith.constant 0 : index
    %swap3A_4 = tpu.vector_load %arg13[%swap3A] {strides = array<i32>} : memref<128xf32, #tpu.memory_space<vmem>>, vector<16xf32>,
    %swap3A_5 = vector.shape_cast %swap3A_4 : vector<16xf32> to vector<16xf32>
    %swap3A_6 = vector.shape_cast %broadcast_in_dim3A_3 : vector<16xf32> to vector<16xf32>
    tpu.vector_store %arg13[%swap3A], %swap3A_6 {strides = array<i32>} : memref<128xf32, #tpu.memory_space<vmem>>, vector<16xf32>,
    %broadcast_in_dim3A_7 = arith.constant 1.000000e+00 : f32
    %broadcast_in_dim3A_8 = vector.broadcast %broadcast_in_dim3A_7 : f32 to vector<16xf32>
    %swap3A_9 = arith.constant 16 : index
    %swap3A_10 = tpu.vector_load %arg13[%swap3A_9] {strides = array<i32>} : memref<128xf32, #tpu.memory_space<vmem>>, vector<16xf32>,
    %swap3A_11 = vector.shape_cast %swap3A_10 : vector<16xf32> to vector<16xf32>
    %swap3A_12 = vector.shape_cast %broadcast_in_dim3A_8 : vector<16xf32> to vector<16xf32>
    tpu.vector_store %arg13[%swap3A_9], %swap3A_12 {strides = array<i32>} : memref<128xf32, #tpu.memory_space<vmem>>, vector<16xf32>,
    %broadcast_in_dim3A_13 = arith.constant 1.000000e+00 : f32
    %broadcast_in_dim3A_14 = vector.broadcast %broadcast_in_dim3A_13 : f32 to vector<16xf32>
    %swap3A_15 = arith.constant 32 : index
    %swap3A_16 = tpu.vector_load %arg13[%swap3A_15] {strides = array<i32>} : memref<128xf32, #tpu.memory_space<vmem>>, vector<16xf32>,
    %swap3A_17 = vector.shape_cast %swap3A_16 : vector<16xf32> to vector<16xf32>
    %swap3A_18 = vector.shape_cast %broadcast_in_dim3A_14 : vector<16xf32> to vector<16xf32>
    tpu.vector_store %arg13[%swap3A_15], %swap3A_18 {strides = array<i32>} : memref<128xf32, #tpu.memory_space<vmem>>, vector<16xf32>,
    %broadcast_in_dim3A_19 = arith.constant 1.000000e+00 : f32
    %broadcast_in_dim3A_20 = vector.broadcast %broadcast_in_dim3A_19 : f32 to vector<16xf32>
    %swap3A_21 = arith.constant 48 : index
    %swap3A_22 = tpu.vector_load %arg13[%swap3A_21] {strides = array<i32>} : memref<128xf32, #tpu.memory_space<vmem>>, vector<16xf32>,
    %swap3A_23 = vector.shape_cast %swap3A_22 : vector<16xf32> to vector<16xf32>
    %swap3A_24 = vector.shape_cast %broadcast_in_dim3A_20 : vector<16xf32> to vector<16xf32>
    tpu.vector_store %arg13[%swap3A_21], %swap3A_24 {strides = array<i32>} : memref<128xf32, #tpu.memory_space<vmem>>, vector<16xf32>,
    %broadcast_in_dim3A_25 = arith.constant 1.000000e+00 : f32
    %broadcast_in_dim3A_26 = vector.broadcast %broadcast_in_dim3A_25 : f32 to vector<16xf32>
    %swap3A_27 = arith.constant 64 : index
    %swap3A_28 = tpu.vector_load %arg13[%swap3A_27] {strides = array<i32>} : memref<128xf32, #tpu.memory_space<vmem>>, vector<16xf32>,
    %swap3A_29 = vector.shape_cast %swap3A_28 : vector<16xf32> to vector<16xf32>
    %swap3A_30 = vector.shape_cast %broadcast_in_dim3A_26 : vector<16xf32> to vector<16xf32>
    tpu.vector_store %arg13[%swap3A_27], %swap3A_30 {strides = array<i32>} : memref<128xf32, #tpu.memory_space<vmem>>, vector<16xf32>,
    %broadcast_in_dim3A_31 = arith.constant 1.000000e+00 : f32
    %broadcast_in_dim3A_32 = vector.broadcast %broadcast_in_dim3A_31 : f32 to vector<16xf32>
    %swap3A_33 = arith.constant 80 : index
    %swap3A_34 = tpu.vector_load %arg13[%swap3A_33] {strides = array<i32>} : memref<128xf32, #tpu.memory_space<vmem>>, vector<16xf32>,
    %swap3A_35 = vector.shape_cast %swap3A_34 : vector<16xf32> to vector<16xf32>
    %swap3A_36 = vector.shape_cast %broadcast_in_dim3A_32 : vector<16xf32> to vector<16xf32>
    tpu.vector_store %arg13[%swap3A_33], %swap3A_36 {strides = array<i32>} : memref<128xf32, #tpu.memory_space<vmem>>, vector<16xf32>,
    %broadcast_in_dim3A_37 = arith.constant 1.000000e+00 : f32
    %broadcast_in_dim3A_38 = vector.broadcast %broadcast_in_dim3A_37 : f32 to vector<16xf32>
    %swap3A_39 = arith.constant 96 : index
    %swap3A_40 = tpu.vector_load %arg13[%swap3A_39] {strides = array<i32>} : memref<128xf32, #tpu.memory_space<vmem>>, vector<16xf32>,
    %swap3A_41 = vector.shape_cast %swap3A_40 : vector<16xf32> to vector<16xf32>
    %swap3A_42 = vector.shape_cast %broadcast_in_dim3A_38 : vector<16xf32> to vector<16xf32>
    tpu.vector_store %arg13[%swap3A_39], %swap3A_42 {strides = array<i32>} : memref<128xf32, #tpu.memory_space<vmem>>, vector<16xf32>,
    %broadcast_in_dim3A_43 = arith.constant 1.000000e+00 : f32
    %broadcast_in_dim3A_44 = vector.broadcast %broadcast_in_dim3A_43 : f32 to vector<16xf32>
    %swap3A_45 = arith.constant 112 : index
    %swap3A_46 = tpu.vector_load %arg13[%swap3A_45] {strides = array<i32>} : memref<128xf32, #tpu.memory_space<vmem>>, vector<16xf32>,
    %swap3A_47 = vector.shape_cast %swap3A_46 : vector<16xf32> to vector<16xf32>
    %swap3A_48 = vector.shape_cast %broadcast_in_dim3A_44 : vector<16xf32> to vector<16xf32>
    tpu.vector_store %arg13[%swap3A_45], %swap3A_48 {strides = array<i32>} : memref<128xf32, #tpu.memory_space<vmem>>, vector<16xf32>,
    %barrier3A = arith.constant 0 : index
    tpu.barrier barrier_id(%barrier3A)
    %mul3A_49 = arith.constant 10240 : i32
    %mul3A_50 = arith.muli %add3A, %mul3A_49 : i32
    %add3A_51 = arith.constant 0 : i32
    %add3A_52 = arith.addi %mul3A_50, %add3A_51 : i32
    %multiple_of3A = tpu.assume_multiple %add3A_52, 8 : i32
    %dma_start3A = tpu.memref_slice %arg2[%multiple_of3A] : memref<327680xi32, #tpu.memory_space<hbm>> -> memref<128xi32, #tpu.memory_space<hbm>>
    %dma_start3A_53 = tpu.memref_slice %arg2[%multiple_of3A] : memref<327680xi32, #tpu.memory_space<hbm>> -> memref<128xi32, #tpu.memory_space<hbm>>
    tpu.enqueue_dma source(%dma_start3A_53 : memref<128xi32, #tpu.memory_space<hbm>>) target(%arg5 : memref<128xi32, #tpu.memory_space<vmem>>) target_semaphore(%arg15 : memref<!tpu.dma_semaphore, #tpu.memory_space<semaphore_mem>>)
    %add3A_54 = arith.constant 128 : i32
    %add3A_55 = arith.addi %mul3A_50, %add3A_54 : i32
    %multiple_of3A_56 = tpu.assume_multiple %add3A_55, 8 : i32
    %dma_start3A_57 = tpu.memref_slice %arg2[%multiple_of3A_56] : memref<327680xi32, #tpu.memory_space<hbm>> -> memref<128xi32, #tpu.memory_space<hbm>>
    %dma_start3A_58 = tpu.memref_slice %arg2[%multiple_of3A_56] : memref<327680xi32, #tpu.memory_space<hbm>> -> memref<128xi32, #tpu.memory_space<hbm>>
    tpu.enqueue_dma source(%dma_start3A_58 : memref<128xi32, #tpu.memory_space<hbm>>) target(%arg6 : memref<128xi32, #tpu.memory_space<vmem>>) target_semaphore(%arg16 : memref<!tpu.dma_semaphore, #tpu.memory_space<semaphore_mem>>)
    %add3A_59 = arith.constant 256 : i32
    %add3A_60 = arith.addi %mul3A_50, %add3A_59 : i32
    %multiple_of3A_61 = tpu.assume_multiple %add3A_60, 8 : i32
    %dma_start3A_62 = tpu.memref_slice %arg2[%multiple_of3A_61] : memref<327680xi32, #tpu.memory_space<hbm>> -> memref<128xi32, #tpu.memory_space<hbm>>
    %dma_start3A_63 = tpu.memref_slice %arg2[%multiple_of3A_61] : memref<327680xi32, #tpu.memory_space<hbm>> -> memref<128xi32, #tpu.memory_space<hbm>>
    tpu.enqueue_dma source(%dma_start3A_63 : memref<128xi32, #tpu.memory_space<hbm>>) target(%arg7 : memref<128xi32, #tpu.memory_space<vmem>>) target_semaphore(%arg17 : memref<!tpu.dma_semaphore, #tpu.memory_space<semaphore_mem>>)
    %add3A_64 = arith.constant 384 : i32
    %add3A_65 = arith.addi %mul3A_50, %add3A_64 : i32
    %multiple_of3A_66 = tpu.assume_multiple %add3A_65, 8 : i32
    %dma_start3A_67 = tpu.memref_slice %arg2[%multiple_of3A_66] : memref<327680xi32, #tpu.memory_space<hbm>> -> memref<128xi32, #tpu.memory_space<hbm>>
    %dma_start3A_68 = tpu.memref_slice %arg2[%multiple_of3A_66] : memref<327680xi32, #tpu.memory_space<hbm>> -> memref<128xi32, #tpu.memory_space<hbm>>
    tpu.enqueue_dma source(%dma_start3A_68 : memref<128xi32, #tpu.memory_space<hbm>>) target(%arg8 : memref<128xi32, #tpu.memory_space<vmem>>) target_semaphore(%arg18 : memref<!tpu.dma_semaphore, #tpu.memory_space<semaphore_mem>>)
    %scan3A = arith.constant 0 : i32
    %scan3A_69 = arith.constant 0 : i32
    %scan3A_70 = arith.constant 10 : i32
    %scan3A_71 = arith.addi %scan3A_69, %scan3A_70 : i32
    %scan3A_72 = arith.constant 1 : i32
    scf.for %scan3A_85 = %scan3A_69 to %scan3A_71 step %scan3A_72  : i32 {
      %mul3A_86 = arith.constant 8 : i32
      %mul3A_87 = arith.muli %mul3A_86, %scan3A_85 : i32
      %add3A_88 = arith.constant 0 : i32
      %add3A_89 = arith.addi %mul3A_87, %add3A_88 : i32
      %ge3A = arith.constant 4 : i32
      %ge3A_90 = arith.cmpi sge, %add3A_89, %ge3A : i32
      %convert_element_type3A = arith.extui %ge3A_90 : i1 to i32
      %cond3A = arith.constant 0 : i32
      %cond3A_91 = arith.cmpi ne, %convert_element_type3A, %cond3A : i32
      scf.if %cond3A_91 {
        %sub3A = arith.constant 4 : i32
        %sub3A_274 = arith.subi %add3A_89, %sub3A : i32
        %dma_wait3A_275 = arith.constant 0 : i32
        %dma_wait3A_276 = tpu.memref_slice %arg14[%dma_wait3A_275] : memref<10240xf32, #tpu.memory_space<vmem_shared>> -> memref<10240xf32, #tpu.memory_space<vmem_shared>>
        tpu.wait_indirect_dma semaphore(%arg27 : memref<!tpu.dma_semaphore, #tpu.memory_space<semaphore_mem>>) src(%arg13 : memref<128xf32, #tpu.memory_space<vmem>>) dst(%dma_wait3A_276 : memref<10240xf32, #tpu.memory_space<vmem_shared>>)
      } else {
      }
      %add3A_92 = arith.constant 4 : i32
      %add3A_93 = arith.addi %add3A_89, %add3A_92 : i32
      %lt3A = arith.constant 80 : i32
      %lt3A_94 = arith.cmpi slt, %add3A_93, %lt3A : i32
      %convert_element_type3A_95 = arith.extui %lt3A_94 : i1 to i32
      %cond3A_96 = arith.constant 0 : i32
      %cond3A_97 = arith.cmpi ne, %convert_element_type3A_95, %cond3A_96 : i32
      scf.if %cond3A_97 {
        %add3A_274 = arith.constant 4 : i32
        %add3A_275 = arith.addi %add3A_89, %add3A_274 : i32
        %mul3A_276 = arith.constant 128 : i32
        %mul3A_277 = arith.muli %add3A_275, %mul3A_276 : i32
        %add3A_278 = arith.addi %mul3A_50, %mul3A_277 : i32
        %multiple_of3A_279 = tpu.assume_multiple %add3A_278, 8 : i32
        %dma_start3A_280 = tpu.memref_slice %arg2[%multiple_of3A_279] : memref<327680xi32, #tpu.memory_space<hbm>> -> memref<128xi32, #tpu.memory_space<hbm>>
        %dma_start3A_281 = tpu.memref_slice %arg2[%multiple_of3A_279] : memref<327680xi32, #tpu.memory_space<hbm>> -> memref<128xi32, #tpu.memory_space<hbm>>
        tpu.enqueue_dma source(%dma_start3A_281 : memref<128xi32, #tpu.memory_space<hbm>>) target(%arg9 : memref<128xi32, #tpu.memory_space<vmem>>) target_semaphore(%arg19 : memref<!tpu.dma_semaphore, #tpu.memory_space<semaphore_mem>>)
      } else {
      }
      %mul3A_98 = arith.constant 128 : i32
      %mul3A_99 = arith.muli %add3A_89, %mul3A_98 : i32
      %add3A_100 = arith.addi %mul3A_50, %mul3A_99 : i32
      %multiple_of3A_101 = tpu.assume_multiple %add3A_100, 8 : i32
      %dma_wait3A_102 = tpu.memref_slice %arg2[%multiple_of3A_101] : memref<327680xi32, #tpu.memory_space<hbm>> -> memref<128xi32, #tpu.memory_space<hbm>>
      %dma_wait3A_103 = tpu.memref_slice %arg2[%multiple_of3A_101] : memref<327680xi32, #tpu.memory_space<hbm>> -> memref<128xi32, #tpu.memory_space<hbm>>
      tpu.wait_dma2 semaphore(%arg15 : memref<!tpu.dma_semaphore, #tpu.memory_space<semaphore_mem>>) src(%dma_wait3A_103 : memref<128xi32, #tpu.memory_space<hbm>>) dst(%arg5 : memref<128xi32, #tpu.memory_space<vmem>>)
      %dma_start3A_104 = arith.constant 0 : i32
      %dma_start3A_105 = tpu.memref_slice %arg14[%dma_start3A_104] : memref<10240xf32, #tpu.memory_space<vmem_shared>> -> memref<10240xf32, #tpu.memory_space<vmem_shared>>
      tpu.enqueue_indirect_dma source(%arg13 : memref<128xf32, #tpu.memory_space<vmem>>) target(%dma_start3A_105 : memref<10240xf32, #tpu.memory_space<vmem_shared>>) offsets(%arg5 : memref<128xi32, #tpu.memory_space<vmem>>) semaphore(%arg23 : memref<!tpu.dma_semaphore, #tpu.memory_space<semaphore_mem>>) {add = true}
      %mul3A_106 = arith.constant 8 : i32
      %mul3A_107 = arith.muli %mul3A_106, %scan3A_85 : i32
      %add3A_108 = arith.constant 1 : i32
      %add3A_109 = arith.addi %mul3A_107, %add3A_108 : i32
      %ge3A_110 = arith.constant 4 : i32
      %ge3A_111 = arith.cmpi sge, %add3A_109, %ge3A_110 : i32
      %convert_element_type3A_112 = arith.extui %ge3A_111 : i1 to i32
      %cond3A_113 = arith.constant 0 : i32
      %cond3A_114 = arith.cmpi ne, %convert_element_type3A_112, %cond3A_113 : i32
      scf.if %cond3A_114 {
        %sub3A = arith.constant 4 : i32
        %sub3A_274 = arith.subi %add3A_109, %sub3A : i32
        %dma_wait3A_275 = arith.constant 0 : i32
        %dma_wait3A_276 = tpu.memref_slice %arg14[%dma_wait3A_275] : memref<10240xf32, #tpu.memory_space<vmem_shared>> -> memref<10240xf32, #tpu.memory_space<vmem_shared>>
        tpu.wait_indirect_dma semaphore(%arg28 : memref<!tpu.dma_semaphore, #tpu.memory_space<semaphore_mem>>) src(%arg13 : memref<128xf32, #tpu.memory_space<vmem>>) dst(%dma_wait3A_276 : memref<10240xf32, #tpu.memory_space<vmem_shared>>)
      } else {
      }
      %add3A_115 = arith.constant 4 : i32
      %add3A_116 = arith.addi %add3A_109, %add3A_115 : i32
      %lt3A_117 = arith.constant 80 : i32
      %lt3A_118 = arith.cmpi slt, %add3A_116, %lt3A_117 : i32
      %convert_element_type3A_119 = arith.extui %lt3A_118 : i1 to i32
      %cond3A_120 = arith.constant 0 : i32
      %cond3A_121 = arith.cmpi ne, %convert_element_type3A_119, %cond3A_120 : i32
      scf.if %cond3A_121 {
        %add3A_274 = arith.constant 4 : i32
        %add3A_275 = arith.addi %add3A_109, %add3A_274 : i32
        %mul3A_276 = arith.constant 128 : i32
        %mul3A_277 = arith.muli %add3A_275, %mul3A_276 : i32
        %add3A_278 = arith.addi %mul3A_50, %mul3A_277 : i32
        %multiple_of3A_279 = tpu.assume_multiple %add3A_278, 8 : i32
        %dma_start3A_280 = tpu.memref_slice %arg2[%multiple_of3A_279] : memref<327680xi32, #tpu.memory_space<hbm>> -> memref<128xi32, #tpu.memory_space<hbm>>
        %dma_start3A_281 = tpu.memref_slice %arg2[%multiple_of3A_279] : memref<327680xi32, #tpu.memory_space<hbm>> -> memref<128xi32, #tpu.memory_space<hbm>>
        tpu.enqueue_dma source(%dma_start3A_281 : memref<128xi32, #tpu.memory_space<hbm>>) target(%arg10 : memref<128xi32, #tpu.memory_space<vmem>>) target_semaphore(%arg20 : memref<!tpu.dma_semaphore, #tpu.memory_space<semaphore_mem>>)
      } else {
      }
      %mul3A_122 = arith.constant 128 : i32
      %mul3A_123 = arith.muli %add3A_109, %mul3A_122 : i32
      %add3A_124 = arith.addi %mul3A_50, %mul3A_123 : i32
      %multiple_of3A_125 = tpu.assume_multiple %add3A_124, 8 : i32
      %dma_wait3A_126 = tpu.memref_slice %arg2[%multiple_of3A_125] : memref<327680xi32, #tpu.memory_space<hbm>> -> memref<128xi32, #tpu.memory_space<hbm>>
      %dma_wait3A_127 = tpu.memref_slice %arg2[%multiple_of3A_125] : memref<327680xi32, #tpu.memory_space<hbm>> -> memref<128xi32, #tpu.memory_space<hbm>>
      tpu.wait_dma2 semaphore(%arg16 : memref<!tpu.dma_semaphore, #tpu.memory_space<semaphore_mem>>) src(%dma_wait3A_127 : memref<128xi32, #tpu.memory_space<hbm>>) dst(%arg6 : memref<128xi32, #tpu.memory_space<vmem>>)
      %dma_start3A_128 = arith.constant 0 : i32
      %dma_start3A_129 = tpu.memref_slice %arg14[%dma_start3A_128] : memref<10240xf32, #tpu.memory_space<vmem_shared>> -> memref<10240xf32, #tpu.memory_space<vmem_shared>>
      tpu.enqueue_indirect_dma source(%arg13 : memref<128xf32, #tpu.memory_space<vmem>>) target(%dma_start3A_129 : memref<10240xf32, #tpu.memory_space<vmem_shared>>) offsets(%arg6 : memref<128xi32, #tpu.memory_space<vmem>>) semaphore(%arg24 : memref<!tpu.dma_semaphore, #tpu.memory_space<semaphore_mem>>) {add = true}
      %mul3A_130 = arith.constant 8 : i32
      %mul3A_131 = arith.muli %mul3A_130, %scan3A_85 : i32
      %add3A_132 = arith.constant 2 : i32
      %add3A_133 = arith.addi %mul3A_131, %add3A_132 : i32
      %ge3A_134 = arith.constant 4 : i32
      %ge3A_135 = arith.cmpi sge, %add3A_133, %ge3A_134 : i32
      %convert_element_type3A_136 = arith.extui %ge3A_135 : i1 to i32
      %cond3A_137 = arith.constant 0 : i32
      %cond3A_138 = arith.cmpi ne, %convert_element_type3A_136, %cond3A_137 : i32
      scf.if %cond3A_138 {
        %sub3A = arith.constant 4 : i32
        %sub3A_274 = arith.subi %add3A_133, %sub3A : i32
        %dma_wait3A_275 = arith.constant 0 : i32
        %dma_wait3A_276 = tpu.memref_slice %arg14[%dma_wait3A_275] : memref<10240xf32, #tpu.memory_space<vmem_shared>> -> memref<10240xf32, #tpu.memory_space<vmem_shared>>
        tpu.wait_indirect_dma semaphore(%arg29 : memref<!tpu.dma_semaphore, #tpu.memory_space<semaphore_mem>>) src(%arg13 : memref<128xf32, #tpu.memory_space<vmem>>) dst(%dma_wait3A_276 : memref<10240xf32, #tpu.memory_space<vmem_shared>>)
      } else {
      }
      %add3A_139 = arith.constant 4 : i32
      %add3A_140 = arith.addi %add3A_133, %add3A_139 : i32
      %lt3A_141 = arith.constant 80 : i32
      %lt3A_142 = arith.cmpi slt, %add3A_140, %lt3A_141 : i32
      %convert_element_type3A_143 = arith.extui %lt3A_142 : i1 to i32
      %cond3A_144 = arith.constant 0 : i32
      %cond3A_145 = arith.cmpi ne, %convert_element_type3A_143, %cond3A_144 : i32
      scf.if %cond3A_145 {
        %add3A_274 = arith.constant 4 : i32
        %add3A_275 = arith.addi %add3A_133, %add3A_274 : i32
        %mul3A_276 = arith.constant 128 : i32
        %mul3A_277 = arith.muli %add3A_275, %mul3A_276 : i32
        %add3A_278 = arith.addi %mul3A_50, %mul3A_277 : i32
        %multiple_of3A_279 = tpu.assume_multiple %add3A_278, 8 : i32
        %dma_start3A_280 = tpu.memref_slice %arg2[%multiple_of3A_279] : memref<327680xi32, #tpu.memory_space<hbm>> -> memref<128xi32, #tpu.memory_space<hbm>>
        %dma_start3A_281 = tpu.memref_slice %arg2[%multiple_of3A_279] : memref<327680xi32, #tpu.memory_space<hbm>> -> memref<128xi32, #tpu.memory_space<hbm>>
        tpu.enqueue_dma source(%dma_start3A_281 : memref<128xi32, #tpu.memory_space<hbm>>) target(%arg11 : memref<128xi32, #tpu.memory_space<vmem>>) target_semaphore(%arg21 : memref<!tpu.dma_semaphore, #tpu.memory_space<semaphore_mem>>)
      } else {
      }
      %mul3A_146 = arith.constant 128 : i32
      %mul3A_147 = arith.muli %add3A_133, %mul3A_146 : i32
      %add3A_148 = arith.addi %mul3A_50, %mul3A_147 : i32
      %multiple_of3A_149 = tpu.assume_multiple %add3A_148, 8 : i32
      %dma_wait3A_150 = tpu.memref_slice %arg2[%multiple_of3A_149] : memref<327680xi32, #tpu.memory_space<hbm>> -> memref<128xi32, #tpu.memory_space<hbm>>
      %dma_wait3A_151 = tpu.memref_slice %arg2[%multiple_of3A_149] : memref<327680xi32, #tpu.memory_space<hbm>> -> memref<128xi32, #tpu.memory_space<hbm>>
      tpu.wait_dma2 semaphore(%arg17 : memref<!tpu.dma_semaphore, #tpu.memory_space<semaphore_mem>>) src(%dma_wait3A_151 : memref<128xi32, #tpu.memory_space<hbm>>) dst(%arg7 : memref<128xi32, #tpu.memory_space<vmem>>)
      %dma_start3A_152 = arith.constant 0 : i32
      %dma_start3A_153 = tpu.memref_slice %arg14[%dma_start3A_152] : memref<10240xf32, #tpu.memory_space<vmem_shared>> -> memref<10240xf32, #tpu.memory_space<vmem_shared>>
      tpu.enqueue_indirect_dma source(%arg13 : memref<128xf32, #tpu.memory_space<vmem>>) target(%dma_start3A_153 : memref<10240xf32, #tpu.memory_space<vmem_shared>>) offsets(%arg7 : memref<128xi32, #tpu.memory_space<vmem>>) semaphore(%arg25 : memref<!tpu.dma_semaphore, #tpu.memory_space<semaphore_mem>>) {add = true}
      %mul3A_154 = arith.constant 8 : i32
      %mul3A_155 = arith.muli %mul3A_154, %scan3A_85 : i32
      %add3A_156 = arith.constant 3 : i32
      %add3A_157 = arith.addi %mul3A_155, %add3A_156 : i32
      %ge3A_158 = arith.constant 4 : i32
      %ge3A_159 = arith.cmpi sge, %add3A_157, %ge3A_158 : i32
      %convert_element_type3A_160 = arith.extui %ge3A_159 : i1 to i32
      %cond3A_161 = arith.constant 0 : i32
      %cond3A_162 = arith.cmpi ne, %convert_element_type3A_160, %cond3A_161 : i32
      scf.if %cond3A_162 {
        %sub3A = arith.constant 4 : i32
        %sub3A_274 = arith.subi %add3A_157, %sub3A : i32
        %dma_wait3A_275 = arith.constant 0 : i32
        %dma_wait3A_276 = tpu.memref_slice %arg14[%dma_wait3A_275] : memref<10240xf32, #tpu.memory_space<vmem_shared>> -> memref<10240xf32, #tpu.memory_space<vmem_shared>>
        tpu.wait_indirect_dma semaphore(%arg30 : memref<!tpu.dma_semaphore, #tpu.memory_space<semaphore_mem>>) src(%arg13 : memref<128xf32, #tpu.memory_space<vmem>>) dst(%dma_wait3A_276 : memref<10240xf32, #tpu.memory_space<vmem_shared>>)
      } else {
      }
      %add3A_163 = arith.constant 4 : i32
      %add3A_164 = arith.addi %add3A_157, %add3A_163 : i32
      %lt3A_165 = arith.constant 80 : i32
      %lt3A_166 = arith.cmpi slt, %add3A_164, %lt3A_165 : i32
      %convert_element_type3A_167 = arith.extui %lt3A_166 : i1 to i32
      %cond3A_168 = arith.constant 0 : i32
      %cond3A_169 = arith.cmpi ne, %convert_element_type3A_167, %cond3A_168 : i32
      scf.if %cond3A_169 {
        %add3A_274 = arith.constant 4 : i32
        %add3A_275 = arith.addi %add3A_157, %add3A_274 : i32
        %mul3A_276 = arith.constant 128 : i32
        %mul3A_277 = arith.muli %add3A_275, %mul3A_276 : i32
        %add3A_278 = arith.addi %mul3A_50, %mul3A_277 : i32
        %multiple_of3A_279 = tpu.assume_multiple %add3A_278, 8 : i32
        %dma_start3A_280 = tpu.memref_slice %arg2[%multiple_of3A_279] : memref<327680xi32, #tpu.memory_space<hbm>> -> memref<128xi32, #tpu.memory_space<hbm>>
        %dma_start3A_281 = tpu.memref_slice %arg2[%multiple_of3A_279] : memref<327680xi32, #tpu.memory_space<hbm>> -> memref<128xi32, #tpu.memory_space<hbm>>
        tpu.enqueue_dma source(%dma_start3A_281 : memref<128xi32, #tpu.memory_space<hbm>>) target(%arg12 : memref<128xi32, #tpu.memory_space<vmem>>) target_semaphore(%arg22 : memref<!tpu.dma_semaphore, #tpu.memory_space<semaphore_mem>>)
      } else {
      }
      %mul3A_170 = arith.constant 128 : i32
      %mul3A_171 = arith.muli %add3A_157, %mul3A_170 : i32
      %add3A_172 = arith.addi %mul3A_50, %mul3A_171 : i32
      %multiple_of3A_173 = tpu.assume_multiple %add3A_172, 8 : i32
      %dma_wait3A_174 = tpu.memref_slice %arg2[%multiple_of3A_173] : memref<327680xi32, #tpu.memory_space<hbm>> -> memref<128xi32, #tpu.memory_space<hbm>>
      %dma_wait3A_175 = tpu.memref_slice %arg2[%multiple_of3A_173] : memref<327680xi32, #tpu.memory_space<hbm>> -> memref<128xi32, #tpu.memory_space<hbm>>
      tpu.wait_dma2 semaphore(%arg18 : memref<!tpu.dma_semaphore, #tpu.memory_space<semaphore_mem>>) src(%dma_wait3A_175 : memref<128xi32, #tpu.memory_space<hbm>>) dst(%arg8 : memref<128xi32, #tpu.memory_space<vmem>>)
      %dma_start3A_176 = arith.constant 0 : i32
      %dma_start3A_177 = tpu.memref_slice %arg14[%dma_start3A_176] : memref<10240xf32, #tpu.memory_space<vmem_shared>> -> memref<10240xf32, #tpu.memory_space<vmem_shared>>
      tpu.enqueue_indirect_dma source(%arg13 : memref<128xf32, #tpu.memory_space<vmem>>) target(%dma_start3A_177 : memref<10240xf32, #tpu.memory_space<vmem_shared>>) offsets(%arg8 : memref<128xi32, #tpu.memory_space<vmem>>) semaphore(%arg26 : memref<!tpu.dma_semaphore, #tpu.memory_space<semaphore_mem>>) {add = true}
      %mul3A_178 = arith.constant 8 : i32
      %mul3A_179 = arith.muli %mul3A_178, %scan3A_85 : i32
      %add3A_180 = arith.constant 4 : i32
      %add3A_181 = arith.addi %mul3A_179, %add3A_180 : i32
      %ge3A_182 = arith.constant 4 : i32
      %ge3A_183 = arith.cmpi sge, %add3A_181, %ge3A_182 : i32
      %convert_element_type3A_184 = arith.extui %ge3A_183 : i1 to i32
      %cond3A_185 = arith.constant 0 : i32
      %cond3A_186 = arith.cmpi ne, %convert_element_type3A_184, %cond3A_185 : i32
      scf.if %cond3A_186 {
        %sub3A = arith.constant 4 : i32
        %sub3A_274 = arith.subi %add3A_181, %sub3A : i32
        %dma_wait3A_275 = arith.constant 0 : i32
        %dma_wait3A_276 = tpu.memref_slice %arg14[%dma_wait3A_275] : memref<10240xf32, #tpu.memory_space<vmem_shared>> -> memref<10240xf32, #tpu.memory_space<vmem_shared>>
        tpu.wait_indirect_dma semaphore(%arg23 : memref<!tpu.dma_semaphore, #tpu.memory_space<semaphore_mem>>) src(%arg13 : memref<128xf32, #tpu.memory_space<vmem>>) dst(%dma_wait3A_276 : memref<10240xf32, #tpu.memory_space<vmem_shared>>)
      } else {
      }
      %add3A_187 = arith.constant 4 : i32
      %add3A_188 = arith.addi %add3A_181, %add3A_187 : i32
      %lt3A_189 = arith.constant 80 : i32
      %lt3A_190 = arith.cmpi slt, %add3A_188, %lt3A_189 : i32
      %convert_element_type3A_191 = arith.extui %lt3A_190 : i1 to i32
      %cond3A_192 = arith.constant 0 : i32
      %cond3A_193 = arith.cmpi ne, %convert_element_type3A_191, %cond3A_192 : i32
      scf.if %cond3A_193 {
        %add3A_274 = arith.constant 4 : i32
        %add3A_275 = arith.addi %add3A_181, %add3A_274 : i32
        %mul3A_276 = arith.constant 128 : i32
        %mul3A_277 = arith.muli %add3A_275, %mul3A_276 : i32
        %add3A_278 = arith.addi %mul3A_50, %mul3A_277 : i32
        %multiple_of3A_279 = tpu.assume_multiple %add3A_278, 8 : i32
        %dma_start3A_280 = tpu.memref_slice %arg2[%multiple_of3A_279] : memref<327680xi32, #tpu.memory_space<hbm>> -> memref<128xi32, #tpu.memory_space<hbm>>
        %dma_start3A_281 = tpu.memref_slice %arg2[%multiple_of3A_279] : memref<327680xi32, #tpu.memory_space<hbm>> -> memref<128xi32, #tpu.memory_space<hbm>>
        tpu.enqueue_dma source(%dma_start3A_281 : memref<128xi32, #tpu.memory_space<hbm>>) target(%arg5 : memref<128xi32, #tpu.memory_space<vmem>>) target_semaphore(%arg15 : memref<!tpu.dma_semaphore, #tpu.memory_space<semaphore_mem>>)
      } else {
      }
      %mul3A_194 = arith.constant 128 : i32
      %mul3A_195 = arith.muli %add3A_181, %mul3A_194 : i32
      %add3A_196 = arith.addi %mul3A_50, %mul3A_195 : i32
      %multiple_of3A_197 = tpu.assume_multiple %add3A_196, 8 : i32
      %dma_wait3A_198 = tpu.memref_slice %arg2[%multiple_of3A_197] : memref<327680xi32, #tpu.memory_space<hbm>> -> memref<128xi32, #tpu.memory_space<hbm>>
      %dma_wait3A_199 = tpu.memref_slice %arg2[%multiple_of3A_197] : memref<327680xi32, #tpu.memory_space<hbm>> -> memref<128xi32, #tpu.memory_space<hbm>>
      tpu.wait_dma2 semaphore(%arg19 : memref<!tpu.dma_semaphore, #tpu.memory_space<semaphore_mem>>) src(%dma_wait3A_199 : memref<128xi32, #tpu.memory_space<hbm>>) dst(%arg9 : memref<128xi32, #tpu.memory_space<vmem>>)
      %dma_start3A_200 = arith.constant 0 : i32
      %dma_start3A_201 = tpu.memref_slice %arg14[%dma_start3A_200] : memref<10240xf32, #tpu.memory_space<vmem_shared>> -> memref<10240xf32, #tpu.memory_space<vmem_shared>>
      tpu.enqueue_indirect_dma source(%arg13 : memref<128xf32, #tpu.memory_space<vmem>>) target(%dma_start3A_201 : memref<10240xf32, #tpu.memory_space<vmem_shared>>) offsets(%arg9 : memref<128xi32, #tpu.memory_space<vmem>>) semaphore(%arg27 : memref<!tpu.dma_semaphore, #tpu.memory_space<semaphore_mem>>) {add = true}
      %mul3A_202 = arith.constant 8 : i32
      %mul3A_203 = arith.muli %mul3A_202, %scan3A_85 : i32
      %add3A_204 = arith.constant 5 : i32
      %add3A_205 = arith.addi %mul3A_203, %add3A_204 : i32
      %ge3A_206 = arith.constant 4 : i32
      %ge3A_207 = arith.cmpi sge, %add3A_205, %ge3A_206 : i32
      %convert_element_type3A_208 = arith.extui %ge3A_207 : i1 to i32
      %cond3A_209 = arith.constant 0 : i32
      %cond3A_210 = arith.cmpi ne, %convert_element_type3A_208, %cond3A_209 : i32
      scf.if %cond3A_210 {
        %sub3A = arith.constant 4 : i32
        %sub3A_274 = arith.subi %add3A_205, %sub3A : i32
        %dma_wait3A_275 = arith.constant 0 : i32
        %dma_wait3A_276 = tpu.memref_slice %arg14[%dma_wait3A_275] : memref<10240xf32, #tpu.memory_space<vmem_shared>> -> memref<10240xf32, #tpu.memory_space<vmem_shared>>
        tpu.wait_indirect_dma semaphore(%arg24 : memref<!tpu.dma_semaphore, #tpu.memory_space<semaphore_mem>>) src(%arg13 : memref<128xf32, #tpu.memory_space<vmem>>) dst(%dma_wait3A_276 : memref<10240xf32, #tpu.memory_space<vmem_shared>>)
      } else {
      }
      %add3A_211 = arith.constant 4 : i32
      %add3A_212 = arith.addi %add3A_205, %add3A_211 : i32
      %lt3A_213 = arith.constant 80 : i32
      %lt3A_214 = arith.cmpi slt, %add3A_212, %lt3A_213 : i32
      %convert_element_type3A_215 = arith.extui %lt3A_214 : i1 to i32
      %cond3A_216 = arith.constant 0 : i32
      %cond3A_217 = arith.cmpi ne, %convert_element_type3A_215, %cond3A_216 : i32
      scf.if %cond3A_217 {
        %add3A_274 = arith.constant 4 : i32
        %add3A_275 = arith.addi %add3A_205, %add3A_274 : i32
        %mul3A_276 = arith.constant 128 : i32
        %mul3A_277 = arith.muli %add3A_275, %mul3A_276 : i32
        %add3A_278 = arith.addi %mul3A_50, %mul3A_277 : i32
        %multiple_of3A_279 = tpu.assume_multiple %add3A_278, 8 : i32
        %dma_start3A_280 = tpu.memref_slice %arg2[%multiple_of3A_279] : memref<327680xi32, #tpu.memory_space<hbm>> -> memref<128xi32, #tpu.memory_space<hbm>>
        %dma_start3A_281 = tpu.memref_slice %arg2[%multiple_of3A_279] : memref<327680xi32, #tpu.memory_space<hbm>> -> memref<128xi32, #tpu.memory_space<hbm>>
        tpu.enqueue_dma source(%dma_start3A_281 : memref<128xi32, #tpu.memory_space<hbm>>) target(%arg6 : memref<128xi32, #tpu.memory_space<vmem>>) target_semaphore(%arg16 : memref<!tpu.dma_semaphore, #tpu.memory_space<semaphore_mem>>)
      } else {
      }
      %mul3A_218 = arith.constant 128 : i32
      %mul3A_219 = arith.muli %add3A_205, %mul3A_218 : i32
      %add3A_220 = arith.addi %mul3A_50, %mul3A_219 : i32
      %multiple_of3A_221 = tpu.assume_multiple %add3A_220, 8 : i32
      %dma_wait3A_222 = tpu.memref_slice %arg2[%multiple_of3A_221] : memref<327680xi32, #tpu.memory_space<hbm>> -> memref<128xi32, #tpu.memory_space<hbm>>
      %dma_wait3A_223 = tpu.memref_slice %arg2[%multiple_of3A_221] : memref<327680xi32, #tpu.memory_space<hbm>> -> memref<128xi32, #tpu.memory_space<hbm>>
      tpu.wait_dma2 semaphore(%arg20 : memref<!tpu.dma_semaphore, #tpu.memory_space<semaphore_mem>>) src(%dma_wait3A_223 : memref<128xi32, #tpu.memory_space<hbm>>) dst(%arg10 : memref<128xi32, #tpu.memory_space<vmem>>)
      %dma_start3A_224 = arith.constant 0 : i32
      %dma_start3A_225 = tpu.memref_slice %arg14[%dma_start3A_224] : memref<10240xf32, #tpu.memory_space<vmem_shared>> -> memref<10240xf32, #tpu.memory_space<vmem_shared>>
      tpu.enqueue_indirect_dma source(%arg13 : memref<128xf32, #tpu.memory_space<vmem>>) target(%dma_start3A_225 : memref<10240xf32, #tpu.memory_space<vmem_shared>>) offsets(%arg10 : memref<128xi32, #tpu.memory_space<vmem>>) semaphore(%arg28 : memref<!tpu.dma_semaphore, #tpu.memory_space<semaphore_mem>>) {add = true}
      %mul3A_226 = arith.constant 8 : i32
      %mul3A_227 = arith.muli %mul3A_226, %scan3A_85 : i32
      %add3A_228 = arith.constant 6 : i32
      %add3A_229 = arith.addi %mul3A_227, %add3A_228 : i32
      %ge3A_230 = arith.constant 4 : i32
      %ge3A_231 = arith.cmpi sge, %add3A_229, %ge3A_230 : i32
      %convert_element_type3A_232 = arith.extui %ge3A_231 : i1 to i32
      %cond3A_233 = arith.constant 0 : i32
      %cond3A_234 = arith.cmpi ne, %convert_element_type3A_232, %cond3A_233 : i32
      scf.if %cond3A_234 {
        %sub3A = arith.constant 4 : i32
        %sub3A_274 = arith.subi %add3A_229, %sub3A : i32
        %dma_wait3A_275 = arith.constant 0 : i32
        %dma_wait3A_276 = tpu.memref_slice %arg14[%dma_wait3A_275] : memref<10240xf32, #tpu.memory_space<vmem_shared>> -> memref<10240xf32, #tpu.memory_space<vmem_shared>>
        tpu.wait_indirect_dma semaphore(%arg25 : memref<!tpu.dma_semaphore, #tpu.memory_space<semaphore_mem>>) src(%arg13 : memref<128xf32, #tpu.memory_space<vmem>>) dst(%dma_wait3A_276 : memref<10240xf32, #tpu.memory_space<vmem_shared>>)
      } else {
      }
      %add3A_235 = arith.constant 4 : i32
      %add3A_236 = arith.addi %add3A_229, %add3A_235 : i32
      %lt3A_237 = arith.constant 80 : i32
      %lt3A_238 = arith.cmpi slt, %add3A_236, %lt3A_237 : i32
      %convert_element_type3A_239 = arith.extui %lt3A_238 : i1 to i32
      %cond3A_240 = arith.constant 0 : i32
      %cond3A_241 = arith.cmpi ne, %convert_element_type3A_239, %cond3A_240 : i32
      scf.if %cond3A_241 {
        %add3A_274 = arith.constant 4 : i32
        %add3A_275 = arith.addi %add3A_229, %add3A_274 : i32
        %mul3A_276 = arith.constant 128 : i32
        %mul3A_277 = arith.muli %add3A_275, %mul3A_276 : i32
        %add3A_278 = arith.addi %mul3A_50, %mul3A_277 : i32
        %multiple_of3A_279 = tpu.assume_multiple %add3A_278, 8 : i32
        %dma_start3A_280 = tpu.memref_slice %arg2[%multiple_of3A_279] : memref<327680xi32, #tpu.memory_space<hbm>> -> memref<128xi32, #tpu.memory_space<hbm>>
        %dma_start3A_281 = tpu.memref_slice %arg2[%multiple_of3A_279] : memref<327680xi32, #tpu.memory_space<hbm>> -> memref<128xi32, #tpu.memory_space<hbm>>
        tpu.enqueue_dma source(%dma_start3A_281 : memref<128xi32, #tpu.memory_space<hbm>>) target(%arg7 : memref<128xi32, #tpu.memory_space<vmem>>) target_semaphore(%arg17 : memref<!tpu.dma_semaphore, #tpu.memory_space<semaphore_mem>>)
      } else {
      }
      %mul3A_242 = arith.constant 128 : i32
      %mul3A_243 = arith.muli %add3A_229, %mul3A_242 : i32
      %add3A_244 = arith.addi %mul3A_50, %mul3A_243 : i32
      %multiple_of3A_245 = tpu.assume_multiple %add3A_244, 8 : i32
      %dma_wait3A_246 = tpu.memref_slice %arg2[%multiple_of3A_245] : memref<327680xi32, #tpu.memory_space<hbm>> -> memref<128xi32, #tpu.memory_space<hbm>>
      %dma_wait3A_247 = tpu.memref_slice %arg2[%multiple_of3A_245] : memref<327680xi32, #tpu.memory_space<hbm>> -> memref<128xi32, #tpu.memory_space<hbm>>
      tpu.wait_dma2 semaphore(%arg21 : memref<!tpu.dma_semaphore, #tpu.memory_space<semaphore_mem>>) src(%dma_wait3A_247 : memref<128xi32, #tpu.memory_space<hbm>>) dst(%arg11 : memref<128xi32, #tpu.memory_space<vmem>>)
      %dma_start3A_248 = arith.constant 0 : i32
      %dma_start3A_249 = tpu.memref_slice %arg14[%dma_start3A_248] : memref<10240xf32, #tpu.memory_space<vmem_shared>> -> memref<10240xf32, #tpu.memory_space<vmem_shared>>
      tpu.enqueue_indirect_dma source(%arg13 : memref<128xf32, #tpu.memory_space<vmem>>) target(%dma_start3A_249 : memref<10240xf32, #tpu.memory_space<vmem_shared>>) offsets(%arg11 : memref<128xi32, #tpu.memory_space<vmem>>) semaphore(%arg29 : memref<!tpu.dma_semaphore, #tpu.memory_space<semaphore_mem>>) {add = true}
      %mul3A_250 = arith.constant 8 : i32
      %mul3A_251 = arith.muli %mul3A_250, %scan3A_85 : i32
      %add3A_252 = arith.constant 7 : i32
      %add3A_253 = arith.addi %mul3A_251, %add3A_252 : i32
      %ge3A_254 = arith.constant 4 : i32
      %ge3A_255 = arith.cmpi sge, %add3A_253, %ge3A_254 : i32
      %convert_element_type3A_256 = arith.extui %ge3A_255 : i1 to i32
      %cond3A_257 = arith.constant 0 : i32
      %cond3A_258 = arith.cmpi ne, %convert_element_type3A_256, %cond3A_257 : i32
      scf.if %cond3A_258 {
        %sub3A = arith.constant 4 : i32
        %sub3A_274 = arith.subi %add3A_253, %sub3A : i32
        %dma_wait3A_275 = arith.constant 0 : i32
        %dma_wait3A_276 = tpu.memref_slice %arg14[%dma_wait3A_275] : memref<10240xf32, #tpu.memory_space<vmem_shared>> -> memref<10240xf32, #tpu.memory_space<vmem_shared>>
        tpu.wait_indirect_dma semaphore(%arg26 : memref<!tpu.dma_semaphore, #tpu.memory_space<semaphore_mem>>) src(%arg13 : memref<128xf32, #tpu.memory_space<vmem>>) dst(%dma_wait3A_276 : memref<10240xf32, #tpu.memory_space<vmem_shared>>)
      } else {
      }
      %add3A_259 = arith.constant 4 : i32
      %add3A_260 = arith.addi %add3A_253, %add3A_259 : i32
      %lt3A_261 = arith.constant 80 : i32
      %lt3A_262 = arith.cmpi slt, %add3A_260, %lt3A_261 : i32
      %convert_element_type3A_263 = arith.extui %lt3A_262 : i1 to i32
      %cond3A_264 = arith.constant 0 : i32
      %cond3A_265 = arith.cmpi ne, %convert_element_type3A_263, %cond3A_264 : i32
      scf.if %cond3A_265 {
        %add3A_274 = arith.constant 4 : i32
        %add3A_275 = arith.addi %add3A_253, %add3A_274 : i32
        %mul3A_276 = arith.constant 128 : i32
        %mul3A_277 = arith.muli %add3A_275, %mul3A_276 : i32
        %add3A_278 = arith.addi %mul3A_50, %mul3A_277 : i32
        %multiple_of3A_279 = tpu.assume_multiple %add3A_278, 8 : i32
        %dma_start3A_280 = tpu.memref_slice %arg2[%multiple_of3A_279] : memref<327680xi32, #tpu.memory_space<hbm>> -> memref<128xi32, #tpu.memory_space<hbm>>
        %dma_start3A_281 = tpu.memref_slice %arg2[%multiple_of3A_279] : memref<327680xi32, #tpu.memory_space<hbm>> -> memref<128xi32, #tpu.memory_space<hbm>>
        tpu.enqueue_dma source(%dma_start3A_281 : memref<128xi32, #tpu.memory_space<hbm>>) target(%arg8 : memref<128xi32, #tpu.memory_space<vmem>>) target_semaphore(%arg18 : memref<!tpu.dma_semaphore, #tpu.memory_space<semaphore_mem>>)
      } else {
      }
      %mul3A_266 = arith.constant 128 : i32
      %mul3A_267 = arith.muli %add3A_253, %mul3A_266 : i32
      %add3A_268 = arith.addi %mul3A_50, %mul3A_267 : i32
      %multiple_of3A_269 = tpu.assume_multiple %add3A_268, 8 : i32
      %dma_wait3A_270 = tpu.memref_slice %arg2[%multiple_of3A_269] : memref<327680xi32, #tpu.memory_space<hbm>> -> memref<128xi32, #tpu.memory_space<hbm>>
      %dma_wait3A_271 = tpu.memref_slice %arg2[%multiple_of3A_269] : memref<327680xi32, #tpu.memory_space<hbm>> -> memref<128xi32, #tpu.memory_space<hbm>>
      tpu.wait_dma2 semaphore(%arg22 : memref<!tpu.dma_semaphore, #tpu.memory_space<semaphore_mem>>) src(%dma_wait3A_271 : memref<128xi32, #tpu.memory_space<hbm>>) dst(%arg12 : memref<128xi32, #tpu.memory_space<vmem>>)
      %dma_start3A_272 = arith.constant 0 : i32
      %dma_start3A_273 = tpu.memref_slice %arg14[%dma_start3A_272] : memref<10240xf32, #tpu.memory_space<vmem_shared>> -> memref<10240xf32, #tpu.memory_space<vmem_shared>>
      tpu.enqueue_indirect_dma source(%arg13 : memref<128xf32, #tpu.memory_space<vmem>>) target(%dma_start3A_273 : memref<10240xf32, #tpu.memory_space<vmem_shared>>) offsets(%arg12 : memref<128xi32, #tpu.memory_space<vmem>>) semaphore(%arg30 : memref<!tpu.dma_semaphore, #tpu.memory_space<semaphore_mem>>) {add = true}
    }
    %scan3A_73 = arith.constant 10 : i32
    %dma_wait3A = arith.constant 0 : i32
    %dma_wait3A_74 = tpu.memref_slice %arg14[%dma_wait3A] : memref<10240xf32, #tpu.memory_space<vmem_shared>> -> memref<10240xf32, #tpu.memory_space<vmem_shared>>
    tpu.wait_indirect_dma semaphore(%arg27 : memref<!tpu.dma_semaphore, #tpu.memory_space<semaphore_mem>>) src(%arg13 : memref<128xf32, #tpu.memory_space<vmem>>) dst(%dma_wait3A_74 : memref<10240xf32, #tpu.memory_space<vmem_shared>>)
    %dma_wait3A_75 = arith.constant 0 : i32
    %dma_wait3A_76 = tpu.memref_slice %arg14[%dma_wait3A_75] : memref<10240xf32, #tpu.memory_space<vmem_shared>> -> memref<10240xf32, #tpu.memory_space<vmem_shared>>
    tpu.wait_indirect_dma semaphore(%arg28 : memref<!tpu.dma_semaphore, #tpu.memory_space<semaphore_mem>>) src(%arg13 : memref<128xf32, #tpu.memory_space<vmem>>) dst(%dma_wait3A_76 : memref<10240xf32, #tpu.memory_space<vmem_shared>>)
    %dma_wait3A_77 = arith.constant 0 : i32
    %dma_wait3A_78 = tpu.memref_slice %arg14[%dma_wait3A_77] : memref<10240xf32, #tpu.memory_space<vmem_shared>> -> memref<10240xf32, #tpu.memory_space<vmem_shared>>
    tpu.wait_indirect_dma semaphore(%arg29 : memref<!tpu.dma_semaphore, #tpu.memory_space<semaphore_mem>>) src(%arg13 : memref<128xf32, #tpu.memory_space<vmem>>) dst(%dma_wait3A_78 : memref<10240xf32, #tpu.memory_space<vmem_shared>>)
    %dma_wait3A_79 = arith.constant 0 : i32
    %dma_wait3A_80 = tpu.memref_slice %arg14[%dma_wait3A_79] : memref<10240xf32, #tpu.memory_space<vmem_shared>> -> memref<10240xf32, #tpu.memory_space<vmem_shared>>
    tpu.wait_indirect_dma semaphore(%arg30 : memref<!tpu.dma_semaphore, #tpu.memory_space<semaphore_mem>>) src(%arg13 : memref<128xf32, #tpu.memory_space<vmem>>) dst(%dma_wait3A_80 : memref<10240xf32, #tpu.memory_space<vmem_shared>>)
    %barrier3A_81 = arith.constant 0 : index
    tpu.barrier barrier_id(%barrier3A_81)
    %mul3A_82 = arith.constant 10240 : i32
    %mul3A_83 = arith.muli %arg0, %mul3A_82 : i32
    %add3A_84 = arith.addi %mul3A_83, %mul3A_2 : i32
    "tpu.region"() ({
      %run_scoped3A = tpu.sem_alloc : memref<!tpu.dma_semaphore, #tpu.memory_space<semaphore_mem>>
      %dma_start3A_85 = tpu.memref_slice %arg4[%add3A_84] : memref<20480xf32, #tpu.memory_space<hbm>> -> memref<640xf32, #tpu.memory_space<hbm>>
      %dma_start3A_86 = tpu.memref_slice %arg14[%mul3A_2] : memref<10240xf32, #tpu.memory_space<vmem_shared>> -> memref<640xf32, #tpu.memory_space<vmem_shared>>
      tpu.enqueue_dma source(%dma_start3A_86 : memref<640xf32, #tpu.memory_space<vmem_shared>>) target(%dma_start3A_85 : memref<640xf32, #tpu.memory_space<hbm>>) target_semaphore(%run_scoped3A : memref<!tpu.dma_semaphore, #tpu.memory_space<semaphore_mem>>)
      %dma_wait3A_87 = tpu.memref_slice %arg4[%add3A_84] : memref<20480xf32, #tpu.memory_space<hbm>> -> memref<640xf32, #tpu.memory_space<hbm>>
      %dma_wait3A_88 = tpu.memref_slice %arg14[%mul3A_2] : memref<10240xf32, #tpu.memory_space<vmem_shared>> -> memref<640xf32, #tpu.memory_space<vmem_shared>>
      tpu.wait_dma2 semaphore(%run_scoped3A : memref<!tpu.dma_semaphore, #tpu.memory_space<semaphore_mem>>) src(%dma_wait3A_88 : memref<640xf32, #tpu.memory_space<vmem_shared>>) dst(%dma_wait3A_87 : memref<640xf32, #tpu.memory_space<hbm>>)
      tpu.yield
    }) : () -> ()
    return
  }
}

#map = affine_map<(d0, d1) -> (0, 0)>
#map1 = affine_map<(d0, d1) -> (0)>
module attributes {stable_mosaic.version = 14 : i64} {
  func.func @_sc_msg(%arg0: i32, %arg1: i32, %arg2: memref<10240x128xf32, #tpu.memory_space<hbm>>, %arg3: memref<327680xi32, #tpu.memory_space<hbm>>, %arg4: memref<327680xi32, #tpu.memory_space<hbm>>, %arg5: memref<10240x128xf32, #tpu.memory_space<hbm>>, %arg6: memref<20480x128xf32, #tpu.memory_space<hbm>>, %arg7: memref<128xi32, #tpu.memory_space<vmem>>, %arg8: memref<128xi32, #tpu.memory_space<vmem>>, %arg9: memref<128xi32, #tpu.memory_space<vmem>>, %arg10: memref<128xi32, #tpu.memory_space<vmem>>, %arg11: memref<128x128xf32, #tpu.memory_space<vmem>>, %arg12: memref<128x128xf32, #tpu.memory_space<vmem>>, %arg13: memref<10240x128xf32, #tpu.memory_space<vmem_shared>>, %arg14: memref<!tpu.dma_semaphore, #tpu.memory_space<semaphore_mem>>, %arg15: memref<!tpu.dma_semaphore, #tpu.memory_space<semaphore_mem>>, %arg16: memref<!tpu.dma_semaphore, #tpu.memory_space<semaphore_mem>>, %arg17: memref<!tpu.dma_semaphore, #tpu.memory_space<semaphore_mem>>, %arg18: memref<!tpu.dma_semaphore, #tpu.memory_space<semaphore_mem>>, %arg19: memref<!tpu.dma_semaphore, #tpu.memory_space<semaphore_mem>>) attributes {dimension_semantics = [#tpu.dimension_semantics<core_parallel>, #tpu.dimension_semantics<subcore_parallel>], iteration_bounds = array<i64: 2, 16>, scalar_prefetch = 0 : i64, scratch_operands = 13 : i64, tpu.core_type = #tpu.core_type<sc_vector_subcore>, window_params = [{transform_indices = #map}, {transform_indices = #map1}, {transform_indices = #map1}, {transform_indices = #map}, {transform_indices = #map}]} {
    %mul3A = arith.constant 16 : i32
    %mul3A_0 = arith.muli %arg0, %mul3A : i32
    %add3A = arith.addi %mul3A_0, %arg1 : i32
    %mul3A_1 = arith.constant 640 : i32
    %mul3A_2 = arith.muli %arg1, %mul3A_1 : i32
    "tpu.region"() ({
      %run_scoped3A = tpu.sem_alloc : memref<!tpu.dma_semaphore, #tpu.memory_space<semaphore_mem>>
      %dma_start3A_28 = arith.constant 0 : i32
      %dma_start3A_29 = tpu.memref_slice %arg13[%mul3A_2, %dma_start3A_28] : memref<10240x128xf32, #tpu.memory_space<vmem_shared>> -> memref<640x128xf32, #tpu.memory_space<vmem_shared>>
      %dma_start3A_30 = arith.constant 0 : i32
      %dma_start3A_31 = tpu.memref_slice %arg5[%mul3A_2, %dma_start3A_30] : memref<10240x128xf32, #tpu.memory_space<hbm>> -> memref<640x128xf32, #tpu.memory_space<hbm>>
      tpu.enqueue_dma source(%dma_start3A_31 : memref<640x128xf32, #tpu.memory_space<hbm>>) target(%dma_start3A_29 : memref<640x128xf32, #tpu.memory_space<vmem_shared>>) target_semaphore(%run_scoped3A : memref<!tpu.dma_semaphore, #tpu.memory_space<semaphore_mem>>)
      %dma_wait3A = arith.constant 0 : i32
      %dma_wait3A_32 = tpu.memref_slice %arg13[%mul3A_2, %dma_wait3A] : memref<10240x128xf32, #tpu.memory_space<vmem_shared>> -> memref<640x128xf32, #tpu.memory_space<vmem_shared>>
      %dma_wait3A_33 = arith.constant 0 : i32
      %dma_wait3A_34 = tpu.memref_slice %arg5[%mul3A_2, %dma_wait3A_33] : memref<10240x128xf32, #tpu.memory_space<hbm>> -> memref<640x128xf32, #tpu.memory_space<hbm>>
      tpu.wait_dma2 semaphore(%run_scoped3A : memref<!tpu.dma_semaphore, #tpu.memory_space<semaphore_mem>>) src(%dma_wait3A_34 : memref<640x128xf32, #tpu.memory_space<hbm>>) dst(%dma_wait3A_32 : memref<640x128xf32, #tpu.memory_space<vmem_shared>>)
      tpu.yield
    }) : () -> ()
    %barrier3A = arith.constant 0 : index
    tpu.barrier barrier_id(%barrier3A)
    %mul3A_3 = arith.constant 10240 : i32
    %mul3A_4 = arith.muli %add3A, %mul3A_3 : i32
    %add3A_5 = arith.constant 0 : i32
    %add3A_6 = arith.addi %mul3A_4, %add3A_5 : i32
    %multiple_of3A = tpu.assume_multiple %add3A_6, 8 : i32
    "tpu.region"() ({
      %run_scoped3A = tpu.sem_alloc : memref<!tpu.dma_semaphore, #tpu.memory_space<semaphore_mem>>
      %dma_start3A_28 = tpu.memref_slice %arg3[%multiple_of3A] : memref<327680xi32, #tpu.memory_space<hbm>> -> memref<128xi32, #tpu.memory_space<hbm>>
      %dma_start3A_29 = tpu.memref_slice %arg3[%multiple_of3A] : memref<327680xi32, #tpu.memory_space<hbm>> -> memref<128xi32, #tpu.memory_space<hbm>>
      tpu.enqueue_dma source(%dma_start3A_29 : memref<128xi32, #tpu.memory_space<hbm>>) target(%arg7 : memref<128xi32, #tpu.memory_space<vmem>>) target_semaphore(%run_scoped3A : memref<!tpu.dma_semaphore, #tpu.memory_space<semaphore_mem>>)
      %dma_wait3A = tpu.memref_slice %arg3[%multiple_of3A] : memref<327680xi32, #tpu.memory_space<hbm>> -> memref<128xi32, #tpu.memory_space<hbm>>
      %dma_wait3A_30 = tpu.memref_slice %arg3[%multiple_of3A] : memref<327680xi32, #tpu.memory_space<hbm>> -> memref<128xi32, #tpu.memory_space<hbm>>
      tpu.wait_dma2 semaphore(%run_scoped3A : memref<!tpu.dma_semaphore, #tpu.memory_space<semaphore_mem>>) src(%dma_wait3A_30 : memref<128xi32, #tpu.memory_space<hbm>>) dst(%arg7 : memref<128xi32, #tpu.memory_space<vmem>>)
      tpu.yield
    }) : () -> ()
    %add3A_7 = arith.constant 0 : i32
    %add3A_8 = arith.addi %mul3A_4, %add3A_7 : i32
    %multiple_of3A_9 = tpu.assume_multiple %add3A_8, 8 : i32
    %dma_start3A = tpu.memref_slice %arg4[%multiple_of3A_9] : memref<327680xi32, #tpu.memory_space<hbm>> -> memref<128xi32, #tpu.memory_space<hbm>>
    %dma_start3A_10 = tpu.memref_slice %arg4[%multiple_of3A_9] : memref<327680xi32, #tpu.memory_space<hbm>> -> memref<128xi32, #tpu.memory_space<hbm>>
    tpu.enqueue_dma source(%dma_start3A_10 : memref<128xi32, #tpu.memory_space<hbm>>) target(%arg9 : memref<128xi32, #tpu.memory_space<vmem>>) target_semaphore(%arg18 : memref<!tpu.dma_semaphore, #tpu.memory_space<semaphore_mem>>)
    %dma_start3A_11 = arith.constant 0 : i32
    %dma_start3A_12 = arith.constant 0 : i32
    %dma_start3A_13 = tpu.memref_slice %arg2[%dma_start3A_11, %dma_start3A_12] : memref<10240x128xf32, #tpu.memory_space<hbm>> -> memref<10240x128xf32, #tpu.memory_space<hbm>>
    tpu.enqueue_indirect_dma source(%dma_start3A_13 : memref<10240x128xf32, #tpu.memory_space<hbm>>) target(%arg11 : memref<128x128xf32, #tpu.memory_space<vmem>>) offsets(%arg7 : memref<128xi32, #tpu.memory_space<vmem>>) semaphore(%arg14 : memref<!tpu.dma_semaphore, #tpu.memory_space<semaphore_mem>>)
    %add3A_14 = arith.constant 128 : i32
    %add3A_15 = arith.addi %mul3A_4, %add3A_14 : i32
    %multiple_of3A_16 = tpu.assume_multiple %add3A_15, 8 : i32
    %dma_start3A_17 = tpu.memref_slice %arg3[%multiple_of3A_16] : memref<327680xi32, #tpu.memory_space<hbm>> -> memref<128xi32, #tpu.memory_space<hbm>>
    %dma_start3A_18 = tpu.memref_slice %arg3[%multiple_of3A_16] : memref<327680xi32, #tpu.memory_space<hbm>> -> memref<128xi32, #tpu.memory_space<hbm>>
    tpu.enqueue_dma source(%dma_start3A_18 : memref<128xi32, #tpu.memory_space<hbm>>) target(%arg8 : memref<128xi32, #tpu.memory_space<vmem>>) target_semaphore(%arg17 : memref<!tpu.dma_semaphore, #tpu.memory_space<semaphore_mem>>)
    %scan3A = arith.constant 0 : i32
    %scan3A_19 = arith.constant 0 : i32
    %scan3A_20 = arith.constant 40 : i32
    %scan3A_21 = arith.addi %scan3A_19, %scan3A_20 : i32
    %scan3A_22 = arith.constant 1 : i32
    scf.for %scan3A_28 = %scan3A_19 to %scan3A_21 step %scan3A_22  : i32 {
      %mul3A_29 = arith.constant 2 : i32
      %mul3A_30 = arith.muli %mul3A_29, %scan3A_28 : i32
      %dma_wait3A = arith.constant 0 : i32
      %dma_wait3A_31 = arith.constant 0 : i32
      %dma_wait3A_32 = tpu.memref_slice %arg2[%dma_wait3A, %dma_wait3A_31] : memref<10240x128xf32, #tpu.memory_space<hbm>> -> memref<10240x128xf32, #tpu.memory_space<hbm>>
      tpu.wait_indirect_dma semaphore(%arg14 : memref<!tpu.dma_semaphore, #tpu.memory_space<semaphore_mem>>) src(%dma_wait3A_32 : memref<10240x128xf32, #tpu.memory_space<hbm>>) dst(%arg11 : memref<128x128xf32, #tpu.memory_space<vmem>>)
      %add3A_33 = arith.constant 2 : i32
      %add3A_34 = arith.addi %mul3A_30, %add3A_33 : i32
      %lt3A = arith.constant 80 : i32
      %lt3A_35 = arith.cmpi slt, %add3A_34, %lt3A : i32
      %convert_element_type3A = arith.extui %lt3A_35 : i1 to i32
      %cond3A = arith.constant 0 : i32
      %cond3A_36 = arith.cmpi ne, %convert_element_type3A, %cond3A : i32
      scf.if %cond3A_36 {
        %add3A_77 = arith.constant 2 : i32
        %add3A_78 = arith.addi %mul3A_30, %add3A_77 : i32
        %mul3A_79 = arith.constant 128 : i32
        %mul3A_80 = arith.muli %add3A_78, %mul3A_79 : i32
        %add3A_81 = arith.addi %mul3A_4, %mul3A_80 : i32
        %multiple_of3A_82 = tpu.assume_multiple %add3A_81, 8 : i32
        %dma_start3A_83 = tpu.memref_slice %arg3[%multiple_of3A_82] : memref<327680xi32, #tpu.memory_space<hbm>> -> memref<128xi32, #tpu.memory_space<hbm>>
        %dma_start3A_84 = tpu.memref_slice %arg3[%multiple_of3A_82] : memref<327680xi32, #tpu.memory_space<hbm>> -> memref<128xi32, #tpu.memory_space<hbm>>
        tpu.enqueue_dma source(%dma_start3A_84 : memref<128xi32, #tpu.memory_space<hbm>>) target(%arg7 : memref<128xi32, #tpu.memory_space<vmem>>) target_semaphore(%arg16 : memref<!tpu.dma_semaphore, #tpu.memory_space<semaphore_mem>>)
      } else {
      }
      %add3A_37 = arith.constant 1 : i32
      %add3A_38 = arith.addi %mul3A_30, %add3A_37 : i32
      %lt3A_39 = arith.constant 80 : i32
      %lt3A_40 = arith.cmpi slt, %add3A_38, %lt3A_39 : i32
      %convert_element_type3A_41 = arith.extui %lt3A_40 : i1 to i32
      %cond3A_42 = arith.constant 0 : i32
      %cond3A_43 = arith.cmpi ne, %convert_element_type3A_41, %cond3A_42 : i32
      scf.if %cond3A_43 {
        %add3A_77 = arith.constant 1 : i32
        %add3A_78 = arith.addi %mul3A_30, %add3A_77 : i32
        %mul3A_79 = arith.constant 128 : i32
        %mul3A_80 = arith.muli %add3A_78, %mul3A_79 : i32
        %add3A_81 = arith.addi %mul3A_4, %mul3A_80 : i32
        %multiple_of3A_82 = tpu.assume_multiple %add3A_81, 8 : i32
        %dma_wait3A_83 = tpu.memref_slice %arg3[%multiple_of3A_82] : memref<327680xi32, #tpu.memory_space<hbm>> -> memref<128xi32, #tpu.memory_space<hbm>>
        %dma_wait3A_84 = tpu.memref_slice %arg3[%multiple_of3A_82] : memref<327680xi32, #tpu.memory_space<hbm>> -> memref<128xi32, #tpu.memory_space<hbm>>
        tpu.wait_dma2 semaphore(%arg17 : memref<!tpu.dma_semaphore, #tpu.memory_space<semaphore_mem>>) src(%dma_wait3A_84 : memref<128xi32, #tpu.memory_space<hbm>>) dst(%arg8 : memref<128xi32, #tpu.memory_space<vmem>>)
        %dma_start3A_85 = arith.constant 0 : i32
        %dma_start3A_86 = arith.constant 0 : i32
        %dma_start3A_87 = tpu.memref_slice %arg2[%dma_start3A_85, %dma_start3A_86] : memref<10240x128xf32, #tpu.memory_space<hbm>> -> memref<10240x128xf32, #tpu.memory_space<hbm>>
        tpu.enqueue_indirect_dma source(%dma_start3A_87 : memref<10240x128xf32, #tpu.memory_space<hbm>>) target(%arg12 : memref<128x128xf32, #tpu.memory_space<vmem>>) offsets(%arg8 : memref<128xi32, #tpu.memory_space<vmem>>) semaphore(%arg15 : memref<!tpu.dma_semaphore, #tpu.memory_space<semaphore_mem>>)
        %add3A_88 = arith.constant 1 : i32
        %add3A_89 = arith.addi %mul3A_30, %add3A_88 : i32
        %mul3A_90 = arith.constant 128 : i32
        %mul3A_91 = arith.muli %add3A_89, %mul3A_90 : i32
        %add3A_92 = arith.addi %mul3A_4, %mul3A_91 : i32
        %multiple_of3A_93 = tpu.assume_multiple %add3A_92, 8 : i32
        %dma_start3A_94 = tpu.memref_slice %arg4[%multiple_of3A_93] : memref<327680xi32, #tpu.memory_space<hbm>> -> memref<128xi32, #tpu.memory_space<hbm>>
        %dma_start3A_95 = tpu.memref_slice %arg4[%multiple_of3A_93] : memref<327680xi32, #tpu.memory_space<hbm>> -> memref<128xi32, #tpu.memory_space<hbm>>
        tpu.enqueue_dma source(%dma_start3A_95 : memref<128xi32, #tpu.memory_space<hbm>>) target(%arg10 : memref<128xi32, #tpu.memory_space<vmem>>) target_semaphore(%arg19 : memref<!tpu.dma_semaphore, #tpu.memory_space<semaphore_mem>>)
      } else {
      }
      %mul3A_44 = arith.constant 128 : i32
      %mul3A_45 = arith.muli %mul3A_30, %mul3A_44 : i32
      %add3A_46 = arith.addi %mul3A_4, %mul3A_45 : i32
      %multiple_of3A_47 = tpu.assume_multiple %add3A_46, 8 : i32
      %dma_wait3A_48 = tpu.memref_slice %arg4[%multiple_of3A_47] : memref<327680xi32, #tpu.memory_space<hbm>> -> memref<128xi32, #tpu.memory_space<hbm>>
      %dma_wait3A_49 = tpu.memref_slice %arg4[%multiple_of3A_47] : memref<327680xi32, #tpu.memory_space<hbm>> -> memref<128xi32, #tpu.memory_space<hbm>>
      tpu.wait_dma2 semaphore(%arg18 : memref<!tpu.dma_semaphore, #tpu.memory_space<semaphore_mem>>) src(%dma_wait3A_49 : memref<128xi32, #tpu.memory_space<hbm>>) dst(%arg9 : memref<128xi32, #tpu.memory_space<vmem>>)
      "tpu.region"() ({
        %run_scoped3A = tpu.sem_alloc : memref<!tpu.dma_semaphore, #tpu.memory_space<semaphore_mem>>
        %dma_start3A_77 = arith.constant 0 : i32
        %dma_start3A_78 = arith.constant 0 : i32
        %dma_start3A_79 = tpu.memref_slice %arg13[%dma_start3A_77, %dma_start3A_78] : memref<10240x128xf32, #tpu.memory_space<vmem_shared>> -> memref<10240x128xf32, #tpu.memory_space<vmem_shared>>
        tpu.enqueue_indirect_dma source(%arg11 : memref<128x128xf32, #tpu.memory_space<vmem>>) target(%dma_start3A_79 : memref<10240x128xf32, #tpu.memory_space<vmem_shared>>) offsets(%arg9 : memref<128xi32, #tpu.memory_space<vmem>>) semaphore(%run_scoped3A : memref<!tpu.dma_semaphore, #tpu.memory_space<semaphore_mem>>) {add = true}
        %dma_wait3A_80 = arith.constant 0 : i32
        %dma_wait3A_81 = arith.constant 0 : i32
        %dma_wait3A_82 = tpu.memref_slice %arg13[%dma_wait3A_80, %dma_wait3A_81] : memref<10240x128xf32, #tpu.memory_space<vmem_shared>> -> memref<10240x128xf32, #tpu.memory_space<vmem_shared>>
        tpu.wait_indirect_dma semaphore(%run_scoped3A : memref<!tpu.dma_semaphore, #tpu.memory_space<semaphore_mem>>) src(%arg11 : memref<128x128xf32, #tpu.memory_space<vmem>>) dst(%dma_wait3A_82 : memref<10240x128xf32, #tpu.memory_space<vmem_shared>>)
        tpu.yield
      }) : () -> ()
      %mul3A_50 = arith.constant 2 : i32
      %mul3A_51 = arith.muli %mul3A_50, %scan3A_28 : i32
      %add3A_52 = arith.constant 1 : i32
      %add3A_53 = arith.addi %mul3A_51, %add3A_52 : i32
      %dma_wait3A_54 = arith.constant 0 : i32
      %dma_wait3A_55 = arith.constant 0 : i32
      %dma_wait3A_56 = tpu.memref_slice %arg2[%dma_wait3A_54, %dma_wait3A_55] : memref<10240x128xf32, #tpu.memory_space<hbm>> -> memref<10240x128xf32, #tpu.memory_space<hbm>>
      tpu.wait_indirect_dma semaphore(%arg15 : memref<!tpu.dma_semaphore, #tpu.memory_space<semaphore_mem>>) src(%dma_wait3A_56 : memref<10240x128xf32, #tpu.memory_space<hbm>>) dst(%arg12 : memref<128x128xf32, #tpu.memory_space<vmem>>)
      %add3A_57 = arith.constant 2 : i32
      %add3A_58 = arith.addi %add3A_53, %add3A_57 : i32
      %lt3A_59 = arith.constant 80 : i32
      %lt3A_60 = arith.cmpi slt, %add3A_58, %lt3A_59 : i32
      %convert_element_type3A_61 = arith.extui %lt3A_60 : i1 to i32
      %cond3A_62 = arith.constant 0 : i32
      %cond3A_63 = arith.cmpi ne, %convert_element_type3A_61, %cond3A_62 : i32
      scf.if %cond3A_63 {
        %add3A_77 = arith.constant 2 : i32
        %add3A_78 = arith.addi %add3A_53, %add3A_77 : i32
        %mul3A_79 = arith.constant 128 : i32
        %mul3A_80 = arith.muli %add3A_78, %mul3A_79 : i32
        %add3A_81 = arith.addi %mul3A_4, %mul3A_80 : i32
        %multiple_of3A_82 = tpu.assume_multiple %add3A_81, 8 : i32
        %dma_start3A_83 = tpu.memref_slice %arg3[%multiple_of3A_82] : memref<327680xi32, #tpu.memory_space<hbm>> -> memref<128xi32, #tpu.memory_space<hbm>>
        %dma_start3A_84 = tpu.memref_slice %arg3[%multiple_of3A_82] : memref<327680xi32, #tpu.memory_space<hbm>> -> memref<128xi32, #tpu.memory_space<hbm>>
        tpu.enqueue_dma source(%dma_start3A_84 : memref<128xi32, #tpu.memory_space<hbm>>) target(%arg8 : memref<128xi32, #tpu.memory_space<vmem>>) target_semaphore(%arg17 : memref<!tpu.dma_semaphore, #tpu.memory_space<semaphore_mem>>)
      } else {
      }
      %add3A_64 = arith.constant 1 : i32
      %add3A_65 = arith.addi %add3A_53, %add3A_64 : i32
      %lt3A_66 = arith.constant 80 : i32
      %lt3A_67 = arith.cmpi slt, %add3A_65, %lt3A_66 : i32
      %convert_element_type3A_68 = arith.extui %lt3A_67 : i1 to i32
      %cond3A_69 = arith.constant 0 : i32
      %cond3A_70 = arith.cmpi ne, %convert_element_type3A_68, %cond3A_69 : i32
      scf.if %cond3A_70 {
        %add3A_77 = arith.constant 1 : i32
        %add3A_78 = arith.addi %add3A_53, %add3A_77 : i32
        %mul3A_79 = arith.constant 128 : i32
        %mul3A_80 = arith.muli %add3A_78, %mul3A_79 : i32
        %add3A_81 = arith.addi %mul3A_4, %mul3A_80 : i32
        %multiple_of3A_82 = tpu.assume_multiple %add3A_81, 8 : i32
        %dma_wait3A_83 = tpu.memref_slice %arg3[%multiple_of3A_82] : memref<327680xi32, #tpu.memory_space<hbm>> -> memref<128xi32, #tpu.memory_space<hbm>>
        %dma_wait3A_84 = tpu.memref_slice %arg3[%multiple_of3A_82] : memref<327680xi32, #tpu.memory_space<hbm>> -> memref<128xi32, #tpu.memory_space<hbm>>
        tpu.wait_dma2 semaphore(%arg16 : memref<!tpu.dma_semaphore, #tpu.memory_space<semaphore_mem>>) src(%dma_wait3A_84 : memref<128xi32, #tpu.memory_space<hbm>>) dst(%arg7 : memref<128xi32, #tpu.memory_space<vmem>>)
        %dma_start3A_85 = arith.constant 0 : i32
        %dma_start3A_86 = arith.constant 0 : i32
        %dma_start3A_87 = tpu.memref_slice %arg2[%dma_start3A_85, %dma_start3A_86] : memref<10240x128xf32, #tpu.memory_space<hbm>> -> memref<10240x128xf32, #tpu.memory_space<hbm>>
        tpu.enqueue_indirect_dma source(%dma_start3A_87 : memref<10240x128xf32, #tpu.memory_space<hbm>>) target(%arg11 : memref<128x128xf32, #tpu.memory_space<vmem>>) offsets(%arg7 : memref<128xi32, #tpu.memory_space<vmem>>) semaphore(%arg14 : memref<!tpu.dma_semaphore, #tpu.memory_space<semaphore_mem>>)
        %add3A_88 = arith.constant 1 : i32
        %add3A_89 = arith.addi %add3A_53, %add3A_88 : i32
        %mul3A_90 = arith.constant 128 : i32
        %mul3A_91 = arith.muli %add3A_89, %mul3A_90 : i32
        %add3A_92 = arith.addi %mul3A_4, %mul3A_91 : i32
        %multiple_of3A_93 = tpu.assume_multiple %add3A_92, 8 : i32
        %dma_start3A_94 = tpu.memref_slice %arg4[%multiple_of3A_93] : memref<327680xi32, #tpu.memory_space<hbm>> -> memref<128xi32, #tpu.memory_space<hbm>>
        %dma_start3A_95 = tpu.memref_slice %arg4[%multiple_of3A_93] : memref<327680xi32, #tpu.memory_space<hbm>> -> memref<128xi32, #tpu.memory_space<hbm>>
        tpu.enqueue_dma source(%dma_start3A_95 : memref<128xi32, #tpu.memory_space<hbm>>) target(%arg9 : memref<128xi32, #tpu.memory_space<vmem>>) target_semaphore(%arg18 : memref<!tpu.dma_semaphore, #tpu.memory_space<semaphore_mem>>)
      } else {
      }
      %mul3A_71 = arith.constant 128 : i32
      %mul3A_72 = arith.muli %add3A_53, %mul3A_71 : i32
      %add3A_73 = arith.addi %mul3A_4, %mul3A_72 : i32
      %multiple_of3A_74 = tpu.assume_multiple %add3A_73, 8 : i32
      %dma_wait3A_75 = tpu.memref_slice %arg4[%multiple_of3A_74] : memref<327680xi32, #tpu.memory_space<hbm>> -> memref<128xi32, #tpu.memory_space<hbm>>
      %dma_wait3A_76 = tpu.memref_slice %arg4[%multiple_of3A_74] : memref<327680xi32, #tpu.memory_space<hbm>> -> memref<128xi32, #tpu.memory_space<hbm>>
      tpu.wait_dma2 semaphore(%arg19 : memref<!tpu.dma_semaphore, #tpu.memory_space<semaphore_mem>>) src(%dma_wait3A_76 : memref<128xi32, #tpu.memory_space<hbm>>) dst(%arg10 : memref<128xi32, #tpu.memory_space<vmem>>)
      "tpu.region"() ({
        %run_scoped3A = tpu.sem_alloc : memref<!tpu.dma_semaphore, #tpu.memory_space<semaphore_mem>>
        %dma_start3A_77 = arith.constant 0 : i32
        %dma_start3A_78 = arith.constant 0 : i32
        %dma_start3A_79 = tpu.memref_slice %arg13[%dma_start3A_77, %dma_start3A_78] : memref<10240x128xf32, #tpu.memory_space<vmem_shared>> -> memref<10240x128xf32, #tpu.memory_space<vmem_shared>>
        tpu.enqueue_indirect_dma source(%arg12 : memref<128x128xf32, #tpu.memory_space<vmem>>) target(%dma_start3A_79 : memref<10240x128xf32, #tpu.memory_space<vmem_shared>>) offsets(%arg10 : memref<128xi32, #tpu.memory_space<vmem>>) semaphore(%run_scoped3A : memref<!tpu.dma_semaphore, #tpu.memory_space<semaphore_mem>>) {add = true}
        %dma_wait3A_80 = arith.constant 0 : i32
        %dma_wait3A_81 = arith.constant 0 : i32
        %dma_wait3A_82 = tpu.memref_slice %arg13[%dma_wait3A_80, %dma_wait3A_81] : memref<10240x128xf32, #tpu.memory_space<vmem_shared>> -> memref<10240x128xf32, #tpu.memory_space<vmem_shared>>
        tpu.wait_indirect_dma semaphore(%run_scoped3A : memref<!tpu.dma_semaphore, #tpu.memory_space<semaphore_mem>>) src(%arg12 : memref<128x128xf32, #tpu.memory_space<vmem>>) dst(%dma_wait3A_82 : memref<10240x128xf32, #tpu.memory_space<vmem_shared>>)
        tpu.yield
      }) : () -> ()
    }
    %scan3A_23 = arith.constant 40 : i32
    %barrier3A_24 = arith.constant 0 : index
    tpu.barrier barrier_id(%barrier3A_24)
    %mul3A_25 = arith.constant 10240 : i32
    %mul3A_26 = arith.muli %arg0, %mul3A_25 : i32
    %add3A_27 = arith.addi %mul3A_26, %mul3A_2 : i32
    "tpu.region"() ({
      %run_scoped3A = tpu.sem_alloc : memref<!tpu.dma_semaphore, #tpu.memory_space<semaphore_mem>>
      %dma_start3A_28 = arith.constant 0 : i32
      %dma_start3A_29 = tpu.memref_slice %arg6[%add3A_27, %dma_start3A_28] : memref<20480x128xf32, #tpu.memory_space<hbm>> -> memref<640x128xf32, #tpu.memory_space<hbm>>
      %dma_start3A_30 = arith.constant 0 : i32
      %dma_start3A_31 = tpu.memref_slice %arg13[%mul3A_2, %dma_start3A_30] : memref<10240x128xf32, #tpu.memory_space<vmem_shared>> -> memref<640x128xf32, #tpu.memory_space<vmem_shared>>
      tpu.enqueue_dma source(%dma_start3A_31 : memref<640x128xf32, #tpu.memory_space<vmem_shared>>) target(%dma_start3A_29 : memref<640x128xf32, #tpu.memory_space<hbm>>) target_semaphore(%run_scoped3A : memref<!tpu.dma_semaphore, #tpu.memory_space<semaphore_mem>>)
      %dma_wait3A = arith.constant 0 : i32
      %dma_wait3A_32 = tpu.memref_slice %arg6[%add3A_27, %dma_wait3A] : memref<20480x128xf32, #tpu.memory_space<hbm>> -> memref<640x128xf32, #tpu.memory_space<hbm>>
      %dma_wait3A_33 = arith.constant 0 : i32
      %dma_wait3A_34 = tpu.memref_slice %arg13[%mul3A_2, %dma_wait3A_33] : memref<10240x128xf32, #tpu.memory_space<vmem_shared>> -> memref<640x128xf32, #tpu.memory_space<vmem_shared>>
      tpu.wait_dma2 semaphore(%run_scoped3A : memref<!tpu.dma_semaphore, #tpu.memory_space<semaphore_mem>>) src(%dma_wait3A_34 : memref<640x128xf32, #tpu.memory_space<vmem_shared>>) dst(%dma_wait3A_32 : memref<640x128xf32, #tpu.memory_space<hbm>>)
      tpu.yield
    }) : () -> ()
    return
  }
}

module attributes {stable_mosaic.version = 14 : i64} {
  func.func @_tc_scale_body(%arg0: i32, %arg1: memref<1024x128xf32, #tpu.memory_space<vmem>>, %arg2: memref<128x128xf32, #tpu.memory_space<vmem>>, %arg3: memref<2x1024x1xf32, #tpu.memory_space<vmem>>, %arg4: memref<1024x128xf32, #tpu.memory_space<vmem>>, %arg5: memref<1024x1xf32, #tpu.memory_space<vmem>>) attributes {dimension_semantics = [#tpu.dimension_semantics<arbitrary>], iteration_bounds = array<i64: 10>, scalar_prefetch = 0 : i64, scratch_operands = 0 : i64, tpu.core_type = #tpu.core_type<tc>, window_params = [{transform_indices = @transform_0, window_bounds = array<i64: 1024, 128>}, {pipeline_mode = #tpu.pipeline_mode<synchronous>, transform_indices = @transform_1, window_bounds = array<i64: 128, 128>}, {transform_indices = @transform_2, window_bounds = array<i64: 2, 1024, 1>}, {transform_indices = @transform_3, window_bounds = array<i64: 1024, 128>}, {transform_indices = @transform_4, window_bounds = array<i64: 1024, 1>}]} {
    %get3A = arith.constant 0 : index
    %get3A_0 = arith.constant 0 : index
    %get3A_1 = arith.constant 0 : index
    %get3A_2 = vector.load %arg3[%get3A, %get3A_0, %get3A_1] : memref<2x1024x1xf32, #tpu.memory_space<vmem>>, vector<1x1024x1xf32>
    %get3A_3 = vector.shape_cast %get3A_2 : vector<1x1024x1xf32> to vector<1024x1xf32>
    %add3A = arith.constant 1.000000e+00 : f32
    %add3A_4 = vector.broadcast %add3A : f32 to vector<1024x1xf32>
    %add3A_5 = arith.addf %add3A_4, %get3A_3 : vector<1024x1xf32>
    %get3A_6 = arith.constant 1 : index
    %get3A_7 = arith.constant 0 : index
    %get3A_8 = arith.constant 0 : index
    %get3A_9 = vector.load %arg3[%get3A_6, %get3A_7, %get3A_8] : memref<2x1024x1xf32, #tpu.memory_space<vmem>>, vector<1x1024x1xf32>
    %get3A_10 = vector.shape_cast %get3A_9 : vector<1x1024x1xf32> to vector<1024x1xf32>
    %add3A_11 = arith.addf %add3A_5, %get3A_10 : vector<1024x1xf32>
    %rsqrt3A = math.rsqrt %add3A_11 : vector<1024x1xf32>
    %get3A_12 = arith.constant 0 : index
    %get3A_13 = arith.constant 0 : index
    %get3A_14 = vector.load %arg1[%get3A_12, %get3A_13] : memref<1024x128xf32, #tpu.memory_space<vmem>>, vector<1024x128xf32>
    %get3A_15 = arith.constant 0 : index
    %get3A_16 = arith.constant 0 : index
    %get3A_17 = vector.load %arg2[%get3A_15, %get3A_16] : memref<128x128xf32, #tpu.memory_space<vmem>>, vector<128x128xf32>
    %dot_general3A = arith.constant dense<0.000000e+00> : vector<1024x128xf32>
    %dot_general3A_18 = tpu.matmul %get3A_14, %get3A_17, %dot_general3A {dimension_numbers = #tpu.dot_dimension_numbers<[1], [0], [0], [1], [0, 0, 1, 1], [], []>, transpose_lhs_hint = false} : vector<1024x128xf32>, vector<128x128xf32>, vector<1024x128xf32> -> vector<1024x128xf32>
    %mul3A = vector.broadcast %rsqrt3A : vector<1024x1xf32> to vector<1024x128xf32>
    %mul3A_19 = arith.mulf %dot_general3A_18, %mul3A : vector<1024x128xf32>
    %swap3A = arith.constant 0 : index
    %swap3A_20 = arith.constant 0 : index
    %swap3A_21 = vector.load %arg4[%swap3A, %swap3A_20] : memref<1024x128xf32, #tpu.memory_space<vmem>>, vector<1024x128xf32>
    tpu.vector_store %arg4[%swap3A, %swap3A_20], %mul3A_19 {strides = array<i32>} : memref<1024x128xf32, #tpu.memory_space<vmem>>, vector<1024x128xf32>,
    %swap3A_22 = arith.constant 0 : index
    %swap3A_23 = arith.constant 0 : index
    %swap3A_24 = vector.load %arg5[%swap3A_22, %swap3A_23] : memref<1024x1xf32, #tpu.memory_space<vmem>>, vector<1024x1xf32>
    tpu.vector_store %arg5[%swap3A_22, %swap3A_23], %rsqrt3A {strides = array<i32>} : memref<1024x1xf32, #tpu.memory_space<vmem>>, vector<1024x1xf32>,
    return
  }
  func.func @transform_0(%arg0: i32) -> (i32, i32) {
    %c0_i32 = arith.constant 0 : i32
    %c0_i32_0 = arith.constant 0 : i32
    return %arg0, %c0_i32 : i32, i32
  }
  func.func @transform_1(%arg0: i32) -> (i32, i32) {
    %c0_i32 = arith.constant 0 : i32
    %c0_i32_0 = arith.constant 0 : i32
    %c0_i32_1 = arith.constant 0 : i32
    return %c0_i32, %c0_i32_0 : i32, i32
  }
  func.func @transform_2(%arg0: i32) -> (i32, i32, i32) {
    %c0_i32 = arith.constant 0 : i32
    %c0_i32_0 = arith.constant 0 : i32
    %c0_i32_1 = arith.constant 0 : i32
    return %c0_i32, %arg0, %c0_i32_0 : i32, i32, i32
  }
  func.func @transform_3(%arg0: i32) -> (i32, i32) {
    %c0_i32 = arith.constant 0 : i32
    %c0_i32_0 = arith.constant 0 : i32
    return %arg0, %c0_i32 : i32, i32
  }
  func.func @transform_4(%arg0: i32) -> (i32, i32) {
    %c0_i32 = arith.constant 0 : i32
    %c0_i32_0 = arith.constant 0 : i32
    return %arg0, %c0_i32 : i32, i32
  }
}

module attributes {stable_mosaic.version = 14 : i64} {
  func.func @_tc_combine_body(%arg0: i32, %arg1: memref<1024x128xf32, #tpu.memory_space<vmem>>, %arg2: memref<1024x128xf32, #tpu.memory_space<vmem>>, %arg3: memref<1024x128xf32, #tpu.memory_space<vmem>>, %arg4: memref<1024x1xf32, #tpu.memory_space<vmem>>, %arg5: memref<1x128xf32, #tpu.memory_space<vmem>>, %arg6: memref<1024x128xf32, #tpu.memory_space<vmem>>) attributes {dimension_semantics = [#tpu.dimension_semantics<arbitrary>], iteration_bounds = array<i64: 10>, scalar_prefetch = 0 : i64, scratch_operands = 0 : i64, tpu.core_type = #tpu.core_type<tc>, window_params = [{transform_indices = @transform_0, window_bounds = array<i64: 1024, 128>}, {transform_indices = @transform_1, window_bounds = array<i64: 1024, 128>}, {transform_indices = @transform_2, window_bounds = array<i64: 1024, 128>}, {transform_indices = @transform_3, window_bounds = array<i64: 1024, 1>}, {pipeline_mode = #tpu.pipeline_mode<synchronous>, transform_indices = @transform_4, window_bounds = array<i64: 1, 128>}, {transform_indices = @transform_5, window_bounds = array<i64: 1024, 128>}]} {
    %get3A = arith.constant 0 : index
    %get3A_0 = arith.constant 0 : index
    %get3A_1 = vector.load %arg1[%get3A, %get3A_0] : memref<1024x128xf32, #tpu.memory_space<vmem>>, vector<1024x128xf32>
    %get3A_2 = arith.constant 0 : index
    %get3A_3 = arith.constant 0 : index
    %get3A_4 = vector.load %arg2[%get3A_2, %get3A_3] : memref<1024x128xf32, #tpu.memory_space<vmem>>, vector<1024x128xf32>
    %add3A = arith.addf %get3A_1, %get3A_4 : vector<1024x128xf32>
    %get3A_5 = arith.constant 0 : index
    %get3A_6 = arith.constant 0 : index
    %get3A_7 = vector.load %arg3[%get3A_5, %get3A_6] : memref<1024x128xf32, #tpu.memory_space<vmem>>, vector<1024x128xf32>
    %add3A_8 = arith.addf %add3A, %get3A_7 : vector<1024x128xf32>
    %get3A_9 = arith.constant 0 : index
    %get3A_10 = arith.constant 0 : index
    %get3A_11 = vector.load %arg4[%get3A_9, %get3A_10] : memref<1024x1xf32, #tpu.memory_space<vmem>>, vector<1024x1xf32>
    %mul3A = vector.broadcast %get3A_11 : vector<1024x1xf32> to vector<1024x128xf32>
    %mul3A_12 = arith.mulf %add3A_8, %mul3A : vector<1024x128xf32>
    %get3A_13 = arith.constant 0 : index
    %get3A_14 = arith.constant 0 : index
    %get3A_15 = vector.load %arg5[%get3A_13, %get3A_14] : memref<1x128xf32, #tpu.memory_space<vmem>>, vector<1x128xf32>
    %add3A_16 = vector.broadcast %get3A_15 : vector<1x128xf32> to vector<1024x128xf32>
    %add3A_17 = arith.addf %mul3A_12, %add3A_16 : vector<1024x128xf32>
    %max3A = arith.constant 0.000000e+00 : f32
    %max3A_18 = vector.broadcast %max3A : f32 to vector<1024x128xf32>
    %max3A_19 = arith.maximumf %add3A_17, %max3A_18 : vector<1024x128xf32>
    %swap3A = arith.constant 0 : index
    %swap3A_20 = arith.constant 0 : index
    %swap3A_21 = vector.load %arg6[%swap3A, %swap3A_20] : memref<1024x128xf32, #tpu.memory_space<vmem>>, vector<1024x128xf32>
    tpu.vector_store %arg6[%swap3A, %swap3A_20], %max3A_19 {strides = array<i32>} : memref<1024x128xf32, #tpu.memory_space<vmem>>, vector<1024x128xf32>,
    return
  }
  func.func @transform_0(%arg0: i32) -> (i32, i32) {
    %c0_i32 = arith.constant 0 : i32
    %c0_i32_0 = arith.constant 0 : i32
    return %arg0, %c0_i32 : i32, i32
  }
  func.func @transform_1(%arg0: i32) -> (i32, i32) {
    %add3A = arith.constant 10 : i32
    %add3A_0 = arith.addi %arg0, %add3A : i32
    %c0_i32 = arith.constant 0 : i32
    %c0_i32_1 = arith.constant 0 : i32
    return %add3A_0, %c0_i32 : i32, i32
  }
  func.func @transform_2(%arg0: i32) -> (i32, i32) {
    %c0_i32 = arith.constant 0 : i32
    %c0_i32_0 = arith.constant 0 : i32
    return %arg0, %c0_i32 : i32, i32
  }
  func.func @transform_3(%arg0: i32) -> (i32, i32) {
    %c0_i32 = arith.constant 0 : i32
    %c0_i32_0 = arith.constant 0 : i32
    return %arg0, %c0_i32 : i32, i32
  }
  func.func @transform_4(%arg0: i32) -> (i32, i32) {
    %c0_i32 = arith.constant 0 : i32
    %c0_i32_0 = arith.constant 0 : i32
    %c0_i32_1 = arith.constant 0 : i32
    return %c0_i32, %c0_i32_0 : i32, i32
  }
  func.func @transform_5(%arg0: i32) -> (i32, i32) {
    %c0_i32 = arith.constant 0 : i32
    %c0_i32_0 = arith.constant 0 : i32
    return %arg0, %c0_i32 : i32, i32
  }
}

</mosaic_0001>

<sc_bundles>
// kernel: kernel.6.cloned.1.call-start
scs
__scs_entry_jumppad:
0x0: {  	(pc) =	sbr.rel $0x88, $3  }
0x1: {  	(tag) =	ssettag $0x0;
	lr =	simm.s32 $0x1  }
0x2: {  	[smem:$0x3F9D] =	sst lr;
	_ =	strace $0xD0000000  }
0x3: {  	_ = 	snop  }
0x4: {  	_ = 	snop  }
0x5: {  	_ = 	snop  }
0x6: {  	_ = 	snop  }
0x7: {  	_ = 	snop  }
__scs_overlays_trampoline_lowered:
0x8: {  	[smem:$0x3FAC] =	sst s0  }
0x9: {  	[smem:$0x3FAD] =	sst s1  }
0xa: {  	[smem:$0x3FAE] =	sst s2  }
0xb: {  	[smem:$0x3FAF] =	sst s3  }
0xc: {  	[smem:$0x3FB0] =	sst s4  }
0xd: {  	[smem:$0x3FB1] =	sst s5  }
0xe: {  	[smem:$0x3FB2] =	sst s6  }
0xf: {  	[smem:$0x3FB3] =	sst s7  }
0x10: {  	[smem:$0x3FB4] =	sst s8  }
0x11: {  	[smem:$0x3FB5] =	sst s9;
	s0 =	simm.s32 @!p0 $0x0  }
0x12: {  	s1 =	sld [smem:$0x3F9B];
	s0 =	simm.s32 @p0 $0x1  }
0x13: {  	[smem:$0x3FB6] =	sst s0;
	s0 =	simm.s32 @!p1 $0x0  }
0x14: {  	s2 =	sld [smem:$0x3F9A];
	s0 =	simm.s32 @p1 $0x1  }
0x15: {  	[smem:$0x3FB7] =	sst s0;
	s0 =	simm.s32 @!p2 $0x0  }
0x16: {  	s3 =	sld [smem:$0x3FDB];
	s0 =	simm.s32 @p2 $0x1  }
0x17: {  	s4 =	simm.s32 $0x1BF5;
	[smem:$0x3FB9] =	sst s0  }
0x18: {  	s0 =	sld [smem:$0x3F9C];
	_ =	swait.ge [sflag:s4], $0x0  }
0x19: {  	s7 =	sld [smem:$0x3F9D]  }
0x1a: {  	s8 =	sadd.s32 $0xFFFFE003, lr  }
0x1b: {  	s9 =	sadd.s32 $0xFFFFFEF7, lr;
	s5 =	simm.s32 $0xFFFFFFFF;
	p2 =	slt.u32 s8, $0xFFFFF086  }
0x1c: {  	p1 =	slt.u32 s9, $0xF7A;
	s5 =	simm.s32 @!p2 $0x0  }
0x1d: {  	s5 =	simm.s32 @p1 $0x1;
	p0 =	seq.s32 s7, s2  }
0x1e: {  	s7 =	smul.u32 @!p0 $0xF7A, s2;
	p2 =	seq.s32 @!p0 s5, $0x0  }
0x1f: {  	s9 =	smul.u32 $0xF7A, s1;
	s8 =	simm.s32 @!p0 $0x1BF5;
	p2 =	por !p2, p0  }
0x20: {  	[sflag:s8] =	ssyncset.s32 @!p0 $0xFFFFF086;
	s6 =	sadd.s32 @!p0 s3, s7;
	s7 =	simm.s32 @!p0 $0x108  }
0x21: {  	s3 =	sadd.s32 s3, s9;
	s6 =	sadd.s32 @!p0 $0x88, s6;
	s7 =	simm.s32 @p2 $0x1082  }
0x22: {  	[simem:s7], [sflag:s8] =	dma.local @!p0 [hbm:s6], $0xF7A  }
0x23: {  	s9 =	sor.u32 $0xD0000000, s2;
	s6 =	simm.s32 $0x108;
	_ =	swait.ge @!p0 [sflag:s8], $0x0  }
0x24: {  	s3 =	sadd.s32 $0x88, s3;
	s6 =	simm.s32 @!p1 $0x1082;
	[sflag:s4] =	ssyncset.s32 $0xFFFFF086  }
0x25: {  	[simem:s6], [sflag:s4] =	dma.local [hbm:s3], $0xF7A  }
0x26: {  	[smem:$0x3F9D] =	sst s1;
	(tag) =	ssettag s2;
	_ =	strace s9  }
0x27: {  	s1 =	sld [smem:$0x3FAD]  }
0x28: {  	s2 =	sld [smem:$0x3FAE]  }
0x29: {  	s4 =	sld [smem:$0x3FB0]  }
0x2a: {  	p0 =	seq.s32 s5, $0x0;
	s5 =	sld [smem:$0x3FB1]  }
0x2b: {  	s6 =	sld [smem:$0x3FB2]  }
0x2c: {  	s7 =	sld [smem:$0x3FB3]  }
0x2d: {  	s3 =	simm.s32 $0x108;
	s8 =	sld [smem:$0x3FB4]  }
0x2e: {  	s3 =	simm.s32 @!p0 $0x1082;
	s9 =	sld [smem:$0x3FB5]  }
0x2f: {  	lr =	sadd.s32 s0, s3;
	s0 =	sld [smem:$0x3FAC]  }
0x30: {  	s3 =	sld [smem:$0x3FAF]  }
0x31: {  	[smem:$0x3FB8] =	sst s10  }
0x32: {  	s10 =	sld [smem:$0x3FB6];
	_ =	sdelay $0x3  }
0x33: {  	p0 =	seq.s32 s10, $0x1;
	s10 =	sld [smem:$0x3FB8];
	_ =	sdelay $0x3  }
0x34: {  	[smem:$0x3FB8] =	sst s10  }
0x35: {  	s10 =	sld [smem:$0x3FB7];
	_ =	sdelay $0x3  }
0x36: {  	p1 =	seq.s32 s10, $0x1;
	s10 =	sld [smem:$0x3FB8];
	_ =	sdelay $0x3  }
0x37: {  	[smem:$0x3FB8] =	sst s10  }
0x38: {  	s10 =	sld [smem:$0x3FB9]  }
0x39: {  	_ = 	snop;
	(pc) =	sbr.ind lr, $3  }
0x3a: {  	_ = 	snop  }
0x3b: {  	_ = 	snop  }
0x3c: {  	p2 =	seq.s32 s10, $0x1;
	s10 =	sld [smem:$0x3FB8]  }
0x3d: {  	_ =	shalt  }
0x3e: {  	_ =	shalt  }
0x3f: {  	_ =	shalt  }
0x40: {  	_ =	shalt  }
0x41: {  	_ =	shalt  }
0x42: {  	_ =	shalt  }
0x43: {  	_ =	shalt  }
0x44: {  	_ =	shalt  }
0x45: {  	_ =	shalt  }
0x46: {  	_ =	shalt  }
0x47: {  	_ =	shalt  }
0x48: {  	_ =	shalt  }
0x49: {  	_ =	shalt  }
0x4a: {  	_ =	shalt  }
0x4b: {  	_ =	shalt  }
0x4c: {  	_ =	shalt  }
0x4d: {  	_ =	shalt  }
0x4e: {  	_ =	shalt  }
0x4f: {  	_ =	shalt  }
0x50: {  	_ =	shalt  }
0x51: {  	_ =	shalt  }
0x52: {  	_ =	shalt  }
0x53: {  	_ =	shalt  }
0x54: {  	_ =	shalt  }
0x55: {  	_ =	shalt  }
0x56: {  	_ =	shalt  }
0x57: {  	_ =	shalt  }
0x58: {  	_ =	shalt  }
0x59: {  	_ =	shalt  }
0x5a: {  	_ =	shalt  }
0x5b: {  	_ =	shalt  }
0x5c: {  	_ =	shalt  }
0x5d: {  	_ =	shalt  }
0x5e: {  	_ =	shalt  }
0x5f: {  	_ =	shalt  }
0x60: {  	_ =	shalt  }
0x61: {  	_ =	shalt  }
0x62: {  	_ =	shalt  }
0x63: {  	_ =	shalt  }
0x64: {  	_ =	shalt  }
0x65: {  	_ =	shalt  }
0x66: {  	_ =	shalt  }
0x67: {  	_ =	shalt  }
0x68: {  	_ =	shalt  }
0x69: {  	_ =	shalt  }
0x6a: {  	_ =	shalt  }
0x6b: {  	_ =	shalt  }
0x6c: {  	_ =	shalt  }
0x6d: {  	_ =	shalt  }
0x6e: {  	_ =	shalt  }
0x6f: {  	_ =	shalt  }
0x70: {  	_ =	shalt  }
0x71: {  	_ =	shalt  }
0x72: {  	_ =	shalt  }
0x73: {  	_ =	shalt  }
0x74: {  	_ =	shalt  }
0x75: {  	_ =	shalt  }
0x76: {  	_ =	shalt  }
0x77: {  	_ =	shalt  }
0x78: {  	_ =	shalt  }
0x79: {  	_ =	shalt  }
0x7a: {  	_ =	shalt  }
0x7b: {  	_ =	shalt  }
0x7c: {  	_ =	shalt  }
0x7d: {  	_ =	shalt  }
0x7e: {  	_ =	shalt  }
0x7f: {  	_ =	shalt  }
0x80: {  	_ =	shalt  }
0x81: {  	_ =	shalt  }
0x82: {  	_ =	shalt  }
0x83: {  	_ =	shalt  }
0x84: {  	_ =	shalt  }
0x85: {  	_ =	shalt  }
0x86: {  	_ =	shalt  }
0x87: {  	_ =	shalt  }
.Lfunc_end0:
.L_simem_size_0:
called_computation_lowered:
.L_overlay_start_0:
0x88: {  	s2 =	sld [smem:$0x3FD9]  }
0x89: {  	s3 =	sld [smem:$0x3FFE];
	_ =	sdelay $0x1  }
0x8a: {  	s1 =	srdreg.scid  }
0x8b: {  	s0 =	sand.u32 $0x1, s1  }
0x8c: {  	s16 =	sshll.u32 s0, $0xA;
	s2 =	sadd.s32 s3, s2  }
0x8d: {  	s2 =	sadd.s32 s2, s16  }
0x8e: {  	[smem:$0x3FC4] =	sst s2  }
0x8f: {  	_ = 	snop  }
0x90: {  	(tm) =	ssettm $0x1  }
0x91: {  	s17 =	sld [smem:$0x3FFB];
	_ =	sdelay $0x3  }
0x92: {  	_ =	strace s17  }
0x93: {  	s2 =	sld [smem:$0x3FFC];
	_ =	sdelay $0x3  }
0x94: {  	_ =	strace s2  }
0x95: {  	s2 =	sld [smem:$0x3FFD];
	_ =	sdelay $0x3  }
0x96: {  	_ =	strace s2  }
0x97: {  	_ =	strace $0x8FFFFFFF  }
0x98: {  	s18 =	sld [smem:$0x3FDB];
	_ =	sdelay $0x1  }
0x99: {  	s19 =	simm.s32 $_scs_section_size  }
0x9a: {  	s4 =	simm.s32 $_size__tile_overlayer_lowered;
	s5 =	simm.s32 $_tile_overlayer_lowered  }
0x9b: {  	s22 =	simm.s32 $0x1BFF;
	s21 =	sshll.u32 s5, $0x1;
	s2 =	sadd.s32 s19, s18  }
0x9c: {  	s6 =	simm.s32 $0x0;
	s20 =	sshll.u32 s4, $0x1;
	s4 =	sadd.s32 s21, s2  }
0x9d: {  	[timem:s6], [sflag:s22] =	dma.local [hbm:s4], s20  }
0x9e: {  	_ =	swait.ge [sflag:s22], s20  }
0x9f: {  	s3 =	ssub.s32 $0x0, s20;
	[sflag:s22] =	ssyncset.done $0x0  }
0xa0: {  	[sflag:s22] =	ssyncadd.s32 s3;
	_ =	sdelay $0x1  }
0xa1: {  	s23 =	simm.s32 $0x1B8B  }
0xa2: {  	_ =	swait.ge [sflag:s23], $0x1  }
0xa3: {  	[sflag:s23] =	ssyncset.done $0x0  }
0xa4: {  	s25 =	simm.s32 $0x1B8E;
	s24 =	sld [smem:$0x3FFE];
	[sflag:s23] =	ssyncadd.s32 $0xFFFFFFFF  }
0xa5: {  	s26 =	simm.s32 $execute0_lowered;
	[smem:$0x3FD2] =	sst s25  }
0xa6: {  	s4 =	sshll.u32 s26, $0x1;
	_ =	strace $0x80000046;
	[dreg:$0x1] =	wrdreg $0xFFFFFFFF  }
0xa7: {  	s28 =	simm.s32 $_size_execute0_lowered;
	s2 =	sadd.s32 s2, s4;
	[dreg:$0x0] =	wrdreg $0x0  }
0xa8: {  	s4 =	sshll.u32 s28, $0x1;
	[dreg:$0x2] =	wrdreg s2  }
0xa9: {  	[dreg:$0x3] =	wrdreg s4  }
0xaa: {  	[dreg:$0x4] =	wrdreg $0xC0  }
0xab: {  	_ =	task [dreg:s6], $0x5FFFF  }
0xac: {  	[dreg:$0x1] =	wrdreg $0xFFFFFFFF  }
0xad: {  	[dreg:$0x0] =	wrdreg $0x60  }
0xae: {  	[dreg:$0x2] =	wrdreg s24  }
0xaf: {  	[dreg:$0x3] =	wrdreg $0x4800  }
0xb0: {  	[dreg:$0x4] =	wrdreg $0x9  }
0xb1: {  	_ =	task.clear_ibuf [dreg:s6], $0x5FFFF;
	_ =	strace $0x90000046  }
0xb2: {  	s29 =	simm.s32 $0x9;
	_ =	strace $0x80000048  }
0xb3: {  	_ =	swait.ge [sflag:s29], $0x1  }
0xb4: {  	[sflag:s29] =	ssyncadd.s32 $0xFFFFFFFF  }
0xb5: {  	_ =	strace $0x90000048  }
0xb6: {  	_ =	sfence  }
0xb7: {  	s30 =	sld [smem:$0x0];
	_ =	sdelay $0x2  }
0xb8: {  	s31 =	sshll.u32 s1, $0xD;
	s1 =	sshrl.u32 s1, $0x2  }
0xb9: {  	s3 =	sand.u32 $0x4000, s31;
	s1 =	sadd.s32 s1, s30  }
0xba: {  	s0 =	sor.u32 s3, s0;
	s1 =	sshll.u32 s1, $0x11  }
0xbb: {  	s0 =	sor.u32 s1, s0  }
0xbc: {  	s0 =	sadd.s32 $0x8F2B, s0  }
0xbd: {  	[sflag:s0] =	ssyncadd.remote.s32 $0x1  }
0xbe: {  	_ =	sfence.sel $0xFFFF  }
0xbf: {  	[dreg:$0x0] =	wrdreg $0xFFFFFFFF;
	(pc) =	sbr.abs _section_cstart, $3  }
0xc0: {  	[dreg:$0x1] =	wrdreg $0xFFFFFFFF  }
0xc1: {  	_ =	task.clear_ibuf [dreg:s6], $0x2FFFF;
	_ =	strace $0x9FFFFFFF  }
0xc2: {  	(tm) =	ssettm $0x7FFFFFFF  }
0xc3: {  	_ =	shalt  }
tec
execute0_lowered:
.L_overlay_start_1:
0x0: {  	(tag) =	ssettag $0x1  }
0x1: {  	s0 =	rddreg [dreg:$0x0]  }
0x2: {  	s2 =	rddreg [dreg:$0x1];
	s3 =	simm.s32 $0x0;
	s11 =	stileid.u32  }
0x3: {  	s4 =	srdreg.scid;
	s28 =	simm.s32 $0x8;
	[smem:$0x7FF] =	sst s3  }
0x4: {  	s1 =	smul.u32 $0x280, s11;
	s4 =	sand.u32 $0x1, s4;
	s8 =	sadd.s32 $0x1C00, s0  }
0x5: {  	s26 =	smul.u32 $0x2800, s11;
	s30 =	sshll.u32 s11, $0x6;
	_ =	strace $0x80000047  }
0x6: {  	s6 =	smul.u32 $0x2800, s4;
	s7 =	sshll.u32 s4, $0x4;
	s9 =	ssub.s32 $0x2, s4  }
0x7: {  	s4 =	smul.u32 $0x28000, s4;
	s5 =	sshrl.u32 s1, $0x3;
	s7 =	sor.u32 s11, s7  }
0x8: {  	s10 =	sshrl.u32 s9, $0x1;
	s5 =	sadd.s32 s5, s0;
	s6 =	sadd.s32 s1, s6  }
0x9: {  	s7 =	smul.u32 $0x2800, s7;
	s9 =	ssub.s32 s9, s10;
	s1 =	sadd.s32 s1, s2  }
0xa: {  	s4 =	sadd.s32 s26, s4;
	s6 =	sshrl.u32 s6, $0x3;
	s5 =	sadd.s32 $0xBC00, s5  }
0xb: {  	s11 =	sor.u32 $0x580, s4;
	s13 =	sor.u32 $0x500, s4;
	s15 =	sor.u32 $0x480, s4  }
0xc: {  	s17 =	sor.u32 $0x400, s4;
	s18 =	sor.u32 $0x380, s4;
	s22 =	sor.u32 $0x300, s4  }
0xd: {  	s24 =	sor.u32 $0x280, s4;
	s4 =	sor.u32 $0x200, s4;
	s0 =	sadd.s32 s6, s0  }
0xe: {  	[dreg:$0xd] =	wrdreg s5;
	s29 =	sshrl.u32 s7, $0x3;
	s6 =	sor.u32 $0x1C11, s30  }
0xf: {  	s7 =	sshrl.u32 s13, $0x3;
	s16 =	sshrl.u32 s15, $0x3;
	s20 =	sshrl.u32 s18, $0x3  }
0x10: {  	s23 =	sshrl.u32 s22, $0x3;
	s4 =	sshrl.u32 s4, $0x3;
	s13 =	simm.s32 $0x11  }
0x11: {  	s30 =	simm.s32 $0x200;
	s15 =	simm.s32 $0x100;
	s18 =	simm.s32 $0x400  }
0x12: {  	s22 =	simm.s32 $0x380;
	s31 =	sadd.s32 s8, s29;
	[dreg:$0xb] =	wrdreg s30  }
0x13: {  	s14 =	sadd.s32 s7, s8;
	s7 =	sshrl.u32 s17, $0x3;
	[dreg:$0xe] =	wrdreg s31  }
0x14: {  	s21 =	sadd.s32 s20, s8;
	s0 =	sadd.s32 $0xC200, s0;
	[dreg:$0x4] =	wrdreg s14  }
0x15: {  	s26 =	sadd.s32 s4, s8;
	s29 =	smax.u32 s9, $0x1;
	[dreg:$0x7] =	wrdreg s21  }
0x16: {  	s17 =	simm.s32 $0x1;
	s20 =	simm.s32 $0x2;
	[dreg:$0x12] =	wrdreg s0  }
0x17: {  	s5 =	sadd.s32 $0x10, s31;
	s12 =	sadd.s32 $0x20, s31;
	[dreg:$0x13] =	wrdreg s29  }
0x18: {  	s10 =	sadd.s32 $0x30, s31;
	s19 =	sadd.s32 s7, s8;
	[dreg:$0xa] =	wrdreg s26  }
0x19: {  	s7 =	sshrl.u32 s24, $0x3;
	s14 =	simm.s32 $0x80;
	[dreg:$0xf] =	wrdreg s5  }
0x1a: {  	s31 =	simm.s32 $0x300;
	s21 =	simm.s32 $0x3;
	[dreg:$0x10] =	wrdreg s12  }
0x1b: {  	s24 =	simm.s32 $0x9;
	s26 =	simm.s32 $0xB;
	[dreg:$0x11] =	wrdreg s10  }
0x1c: {  	s0 =	simm.s32 $0x10;
	s5 =	sshrl.u32 s11, $0x3;
	[dreg:$0x6] =	wrdreg s19  }
0x1d: {  	s25 =	sadd.s32 s7, s8;
	s12 =	sshrl.u32 s1, $0x3;
	[dreg:$0xc] =	wrdreg s31  }
0x1e: {  	s19 =	simm.s32 $0x280;
	s5 =	sadd.s32 s5, s8;
	[dreg:$0x9] =	wrdreg s25  }
0x1f: {  	s1 =	simm.s32 $0x0;
	[dreg:$0x3] =	wrdreg s5;
	s5 =	sadd.s32 s16, s8  }
0x20: {  	s25 =	simm.s32 $0x6;
	[dreg:$0x5] =	wrdreg s5;
	s5 =	sadd.s32 s23, s8  }
0x21: {  	v0 =	vimm.f32 $1.000000000e+00;
	s16 =	simm.s32 $0x180;
	s23 =	simm.s32 $0x4;
	[dreg:$0x8] =	wrdreg s5  }
.LBB2_1:
0x22: {  	s4 =	rddreg [dreg:$0xd]  }
0x23: {  	[spmem:s12], [sflag:s6] =	dma.local [hbm:s4], $0x50  }
0x24: {  	_ =	swait.ge [sflag:s13], $0x50  }
0x25: {  	[sflag:s13] =	ssyncset.done $0x0  }
0x26: {  	[sflag:s13] =	ssyncadd.s32 $0xFFFFFFB0  }
0x27: {  	[tilespmem:$0x400] =	vst v0  }
0x28: {  	[tilespmem:$0x410] =	vst v0  }
0x29: {  	[tilespmem:$0x420] =	vst v0  }
0x2a: {  	[tilespmem:$0x430] =	vst v0  }
0x2b: {  	[tilespmem:$0x440] =	vst v0  }
0x2c: {  	[tilespmem:$0x450] =	vst v0  }
0x2d: {  	[tilespmem:$0x460] =	vst v0  }
0x2e: {  	[tilespmem:$0x470] =	vst v0  }
0x2f: {  	[bflag:$0x0] =	sbarrier.arrive $0xFFFF  }
0x30: {  	s11 =	rddreg [dreg:$0xe]  }
0x31: {  	[tilespmem:s3], [sflag:$0x1] =	stream.linear.gather [hbm4b:s11+s3], $0x80, $0x38;
	[tilespmem:$0x700] =	vst v63  }
0x32: {  	s29 =	rddreg [dreg:$0xf]  }
0x33: {  	[tilespmem:s14], [sflag:$0x2] =	stream.linear.gather [hbm4b:s29+s3], $0x80, $0x38;
	[tilespmem:$0x700] =	vst v63  }
0x34: {  	p0 =	por $0x1, $0x1;
	s30 =	rddreg [dreg:$0x10]  }
0x35: {  	[tilespmem:s15], [sflag:$0x3] =	stream.linear.gather [hbm4b:s30+s3], $0x80, $0x38;
	[tilespmem:$0x700] =	vst v63  }
0x36: {  	s4 =	simm.s32 @!p0 $0xD;
	s31 =	rddreg [dreg:$0x11]  }
0x37: {  	[tilespmem:s16], [sflag:$0x4] =	stream.linear.gather [hbm4b:s31+s3], $0x80, $0x38;
	[tilespmem:$0x700] =	vst v63  }
0x38: {  	_ =	swait.ge @!p0 [sflag:s4], $0x80  }
0x39: {  	s5 =	rddreg [dreg:$0xa];
	[sflag:s4] =	ssyncset.done @!p0 $0x0  }
0x3a: {  	s7 =	rddreg [dreg:$0xb];
	[sflag:s4] =	ssyncadd.s32 @!p0 $0xFFFFFF80;
	s5 =	sadd.s32 $0x0, s5  }
0x3b: {  	[tilespmem:s7], [sflag:$0x5] =	stream.linear.gather [hbm4b:s5+s3], $0x80, $0x38;
	[tilespmem:$0x700] =	vst v63  }
0x3c: {  	_ =	swait.ge [sflag:s17], $0x80  }
0x3d: {  	[sflag:s17] =	ssyncset.done $0x0  }
0x3e: {  	s4 =	simm.s32 @!p0 $0xE;
	[sflag:s17] =	ssyncadd.s32 $0xFFFFFF80  }
0x3f: {  	[spmem:s2] =	stream.indirect.scatter.add.f32 [tilespmem:s18], [sflag:$0x9], $0x1, s3, s14, $0xb8;
	[tilespmem:$0x700] =	vst v63  }
0x40: {  	_ =	swait.ge @!p0 [sflag:s4], $0x80  }
0x41: {  	s8 =	rddreg [dreg:$0x9];
	[sflag:s4] =	ssyncset.done @!p0 $0x0  }
0x42: {  	[sflag:s4] =	ssyncadd.s32 @!p0 $0xFFFFFF80;
	s9 =	sadd.s32 $0x0, s8  }
0x43: {  	[tilespmem:s19], [sflag:$0x6] =	stream.linear.gather [hbm4b:s9+s3], $0x80, $0x38;
	[tilespmem:$0x700] =	vst v63  }
0x44: {  	_ =	swait.ge [sflag:s20], $0x80  }
0x45: {  	[sflag:s20] =	ssyncset.done $0x0  }
0x46: {  	s4 =	simm.s32 @!p0 $0xF;
	[sflag:s20] =	ssyncadd.s32 $0xFFFFFF80  }
0x47: {  	[spmem:s2] =	stream.indirect.scatter.add.f32 [tilespmem:s18], [sflag:$0xA], $0x1, s14, s14, $0xb8;
	[tilespmem:$0x700] =	vst v63  }
0x48: {  	_ =	swait.ge @!p0 [sflag:s4], $0x80  }
0x49: {  	s10 =	rddreg [dreg:$0x8];
	[sflag:s4] =	ssyncset.done @!p0 $0x0  }
0x4a: {  	s11 =	rddreg [dreg:$0xc];
	[sflag:s4] =	ssyncadd.s32 @!p0 $0xFFFFFF80;
	s29 =	sadd.s32 $0x0, s10  }
0x4b: {  	[tilespmem:s11], [sflag:$0x7] =	stream.linear.gather [hbm4b:s29+s3], $0x80, $0x38;
	[tilespmem:$0x700] =	vst v63  }
0x4c: {  	_ =	swait.ge [sflag:s21], $0x80  }
0x4d: {  	[sflag:s21] =	ssyncset.done $0x0  }
0x4e: {  	s4 =	simm.s32 @!p0 $0x10;
	[sflag:s21] =	ssyncadd.s32 $0xFFFFFF80  }
0x4f: {  	[spmem:s2] =	stream.indirect.scatter.add.f32 [tilespmem:s18], [sflag:$0xB], $0x1, s15, s14, $0xb8;
	[tilespmem:$0x700] =	vst v63  }
0x50: {  	_ =	swait.ge @!p0 [sflag:s4], $0x80  }
0x51: {  	s30 =	rddreg [dreg:$0x7];
	[sflag:s4] =	ssyncset.done @!p0 $0x0  }
0x52: {  	[sflag:s4] =	ssyncadd.s32 @!p0 $0xFFFFFF80;
	s31 =	sadd.s32 $0x0, s30  }
0x53: {  	[tilespmem:s22], [sflag:$0x8] =	stream.linear.gather [hbm4b:s31+s3], $0x80, $0x38;
	[tilespmem:$0x700] =	vst v63  }
0x54: {  	_ =	swait.ge [sflag:s23], $0x80  }
0x55: {  	[sflag:s23] =	ssyncset.done $0x0  }
0x56: {  	[sflag:s23] =	ssyncadd.s32 $0xFFFFFF80  }
0x57: {  	[spmem:s2] =	stream.indirect.scatter.add.f32 [tilespmem:s18], [sflag:$0xC], $0x1, s16, s14, $0xb8;
	[tilespmem:$0x700] =	vst v63  }
0x58: {  	_ =	swait.ge [sflag:s24], $0x80  }
0x59: {  	p0 =	por $0x0, $0x0;
	[sflag:s24] =	ssyncset.done $0x0  }
0x5a: {  	s4 =	simm.s32 @p0 $0x5;
	[sflag:s24] =	ssyncadd.s32 $0xFFFFFF80  }
0x5b: {  	_ =	swait.ge @p0 [sflag:s4], $0x80  }
0x5c: {  	s5 =	simm.s32 @p0 $0x400;
	s7 =	simm.s32 @p0 $0xA;
	[sflag:s4] =	ssyncset.done @p0 $0x0  }
0x5d: {  	s8 =	simm.s32 @p0 $0x200;
	[sflag:s4] =	ssyncadd.s32 @p0 $0xFFFFFF80;
	s4 =	simm.s32 @p0 $0x80  }
0x5e: {  	[spmem:s2] =	stream.indirect.scatter.add.f32 @p0 [tilespmem:s5], [sflag:$0xD], $0x1, s8, s4, $0xb8;
	[tilespmem:$0x700] =	vst v63  }
0x5f: {  	_ =	swait.ge @p0 [sflag:s7], $0x80  }
0x60: {  	s9 =	simm.s32 @!p0 $0x5;
	s8 =	rddreg [dreg:$0x6];
	[sflag:s7] =	ssyncset.done @p0 $0x0  }
0x61: {  	[sflag:s7] =	ssyncadd.s32 @p0 $0xFFFFFF80;
	s7 =	sadd.s32 @!p0 $0x0, s8;
	s8 =	simm.s32 @!p0 $0x0  }
0x62: {  	[tilespmem:s8], [sflag:$0x1] =	stream.linear.gather @!p0 [hbm4b:s7+s8], $0x80, $0x38;
	[tilespmem:$0x700] =	vst v63  }
0x63: {  	_ =	swait.ge @!p0 [sflag:s9], $0x80  }
0x64: {  	s10 =	simm.s32 @!p0 $0xA;
	s11 =	simm.s32 @!p0 $0x200;
	[sflag:s9] =	ssyncset.done @!p0 $0x0  }
0x65: {  	s7 =	simm.s32 @!p0 $0x400;
	[sflag:s9] =	ssyncadd.s32 @!p0 $0xFFFFFF80;
	s9 =	simm.s32 @!p0 $0x80  }
0x66: {  	[spmem:s2] =	stream.indirect.scatter.add.f32 @!p0 [tilespmem:s7], [sflag:$0xD], $0x1, s11, s9, $0xb8;
	[tilespmem:$0x700] =	vst v63  }
0x67: {  	_ =	swait.ge @!p0 [sflag:s10], $0x80  }
0x68: {  	s11 =	rddreg [dreg:$0x5];
	[sflag:s10] =	ssyncset.done @!p0 $0x0  }
0x69: {  	[sflag:s10] =	ssyncadd.s32 @!p0 $0xFFFFFF80;
	s10 =	sadd.s32 @!p0 $0x0, s11  }
0x6a: {  	[tilespmem:s9], [sflag:$0x2] =	stream.linear.gather @!p0 [hbm4b:s10+s8], $0x80, $0x38;
	[tilespmem:$0x700] =	vst v63  }
0x6b: {  	_ =	swait.ge [sflag:s25], $0x80  }
0x6c: {  	[sflag:s25] =	ssyncset.done $0x0  }
0x6d: {  	[sflag:s25] =	ssyncadd.s32 $0xFFFFFF80  }
0x6e: {  	[spmem:s2] =	stream.indirect.scatter.add.f32 [tilespmem:s18], [sflag:$0xE], $0x1, s19, s14, $0xb8;
	[tilespmem:$0x700] =	vst v63  }
0x6f: {  	_ =	swait.ge [sflag:s26], $0x80  }
0x70: {  	[sflag:s26] =	ssyncset.done $0x0  }
0x71: {  	s10 =	simm.s32 @p0 $0x7;
	[sflag:s26] =	ssyncadd.s32 $0xFFFFFF80  }
0x72: {  	_ =	swait.ge @p0 [sflag:s10], $0x80  }
0x73: {  	[sflag:s10] =	ssyncset.done @p0 $0x0  }
0x74: {  	[sflag:s10] =	ssyncadd.s32 @p0 $0xFFFFFF80;
	s10 =	simm.s32 @p0 $0x300  }
0x75: {  	[spmem:s2] =	stream.indirect.scatter.add.f32 @p0 [tilespmem:s5], [sflag:$0xF], $0x1, s10, s4, $0xb8;
	[tilespmem:$0x700] =	vst v63  }
0x76: {  	s4 =	simm.s32 @p0 $0xC  }
0x77: {  	_ =	swait.ge @p0 [sflag:s4], $0x80  }
0x78: {  	s5 =	rddreg [dreg:$0x4];
	[sflag:s4] =	ssyncset.done @p0 $0x0  }
0x79: {  	[sflag:s4] =	ssyncadd.s32 @p0 $0xFFFFFF80;
	s4 =	sadd.s32 @!p0 $0x0, s5;
	s5 =	simm.s32 @!p0 $0x100  }
0x7a: {  	[tilespmem:s5], [sflag:$0x3] =	stream.linear.gather @!p0 [hbm4b:s4+s8], $0x80, $0x38;
	[tilespmem:$0x700] =	vst v63  }
0x7b: {  	s4 =	simm.s32 @!p0 $0x7  }
0x7c: {  	_ =	swait.ge @!p0 [sflag:s4], $0x80  }
0x7d: {  	[sflag:s4] =	ssyncset.done @!p0 $0x0  }
0x7e: {  	[sflag:s4] =	ssyncadd.s32 @!p0 $0xFFFFFF80;
	s4 =	simm.s32 @!p0 $0x300  }
0x7f: {  	[spmem:s2] =	stream.indirect.scatter.add.f32 @!p0 [tilespmem:s7], [sflag:$0xF], $0x1, s4, s9, $0xb8;
	[tilespmem:$0x700] =	vst v63  }
0x80: {  	s4 =	simm.s32 @!p0 $0xC  }
0x81: {  	_ =	swait.ge @!p0 [sflag:s4], $0x80  }
0x82: {  	s5 =	rddreg [dreg:$0x3];
	[sflag:s4] =	ssyncset.done @!p0 $0x0  }
0x83: {  	[sflag:s4] =	ssyncadd.s32 @!p0 $0xFFFFFF80;
	s4 =	sadd.s32 @!p0 $0x0, s5;
	s5 =	simm.s32 @!p0 $0x180  }
0x84: {  	[tilespmem:s5], [sflag:$0x4] =	stream.linear.gather @!p0 [hbm4b:s4+s8], $0x80, $0x38;
	[tilespmem:$0x700] =	vst v63  }
0x85: {  	p1 =	por $0x0, $0x0;
	_ =	swait.ge [sflag:s28], $0x80  }
0x86: {  	s7 =	simm.s32 $0x100;
	s4 =	simm.s32 $0x80;
	[sflag:s28] =	ssyncset.done $0x0  }
.LBB2_2:
0x87: {  	s5 =	simm.s32 @!p1 $0xD;
	[sflag:s28] =	ssyncadd.s32 $0xFFFFFF80  }
0x88: {  	[spmem:s2] =	stream.indirect.scatter.add.f32 [tilespmem:s18], [sflag:$0x10], $0x1, s22, s14, $0xb8;
	[tilespmem:$0x700] =	vst v63  }
0x89: {  	_ =	swait.ge @!p1 [sflag:s5], $0x80  }
0x8a: {  	[sflag:s5] =	ssyncset.done @!p1 $0x0;
	s9 =	rddreg [dreg:$0xa]  }
0x8b: {  	s30 =	rddreg [dreg:$0xb];
	[sflag:s5] =	ssyncadd.s32 @!p1 $0xFFFFFF80;
	s9 =	sadd.s32 s4, s9  }
0x8c: {  	[tilespmem:s30], [sflag:$0x5] =	stream.linear.gather [hbm4b:s9+s3], $0x80, $0x38;
	[tilespmem:$0x700] =	vst v63  }
0x8d: {  	_ =	swait.ge [sflag:s17], $0x80  }
0x8e: {  	[sflag:s17] =	ssyncset.done $0x0  }
0x8f: {  	s5 =	simm.s32 @!p1 $0xE;
	[sflag:s17] =	ssyncadd.s32 $0xFFFFFF80  }
0x90: {  	[spmem:s2] =	stream.indirect.scatter.add.f32 [tilespmem:s18], [sflag:$0x9], $0x1, s3, s14, $0xb8;
	[tilespmem:$0x700] =	vst v63  }
0x91: {  	_ =	swait.ge @!p1 [sflag:s5], $0x80  }
0x92: {  	[sflag:s5] =	ssyncset.done @!p1 $0x0;
	s31 =	rddreg [dreg:$0x9]  }
0x93: {  	[sflag:s5] =	ssyncadd.s32 @!p1 $0xFFFFFF80;
	s10 =	sadd.s32 s4, s31  }
0x94: {  	[tilespmem:s19], [sflag:$0x6] =	stream.linear.gather [hbm4b:s10+s3], $0x80, $0x38;
	[tilespmem:$0x700] =	vst v63  }
0x95: {  	_ =	swait.ge [sflag:s20], $0x80  }
0x96: {  	[sflag:s20] =	ssyncset.done $0x0  }
0x97: {  	s5 =	simm.s32 @!p1 $0xF;
	[sflag:s20] =	ssyncadd.s32 $0xFFFFFF80  }
0x98: {  	[spmem:s2] =	stream.indirect.scatter.add.f32 [tilespmem:s18], [sflag:$0xA], $0x1, s14, s14, $0xb8;
	[tilespmem:$0x700] =	vst v63  }
0x99: {  	_ =	swait.ge @!p1 [sflag:s5], $0x80  }
0x9a: {  	[sflag:s5] =	ssyncset.done @!p1 $0x0;
	s11 =	rddreg [dreg:$0x8]  }
0x9b: {  	s29 =	rddreg [dreg:$0xc];
	[sflag:s5] =	ssyncadd.s32 @!p1 $0xFFFFFF80;
	s9 =	sadd.s32 s4, s11  }
0x9c: {  	[tilespmem:s29], [sflag:$0x7] =	stream.linear.gather [hbm4b:s9+s3], $0x80, $0x38;
	[tilespmem:$0x700] =	vst v63  }
0x9d: {  	_ =	swait.ge [sflag:s21], $0x80  }
0x9e: {  	[sflag:s21] =	ssyncset.done $0x0  }
0x9f: {  	s5 =	simm.s32 @!p1 $0x10;
	[sflag:s21] =	ssyncadd.s32 $0xFFFFFF80  }
0xa0: {  	[spmem:s2] =	stream.indirect.scatter.add.f32 [tilespmem:s18], [sflag:$0xB], $0x1, s15, s14, $0xb8;
	[tilespmem:$0x700] =	vst v63  }
0xa1: {  	_ =	swait.ge @!p1 [sflag:s5], $0x80  }
0xa2: {  	[sflag:s5] =	ssyncset.done @!p1 $0x0;
	s30 =	rddreg [dreg:$0x7]  }
0xa3: {  	[sflag:s5] =	ssyncadd.s32 @!p1 $0xFFFFFF80;
	s31 =	sadd.s32 s4, s30  }
0xa4: {  	[tilespmem:s22], [sflag:$0x8] =	stream.linear.gather [hbm4b:s31+s3], $0x80, $0x38;
	[tilespmem:$0x700] =	vst v63  }
0xa5: {  	_ =	swait.ge [sflag:s23], $0x80  }
0xa6: {  	[sflag:s23] =	ssyncset.done $0x0  }
0xa7: {  	[sflag:s23] =	ssyncadd.s32 $0xFFFFFF80  }
0xa8: {  	[spmem:s2] =	stream.indirect.scatter.add.f32 [tilespmem:s18], [sflag:$0xC], $0x1, s16, s14, $0xb8;
	[tilespmem:$0x700] =	vst v63  }
0xa9: {  	_ =	swait.ge [sflag:s24], $0x80  }
0xaa: {  	p1 =	seq.s32 s4, $0x480;
	[sflag:s24] =	ssyncset.done $0x0  }
0xab: {  	s5 =	simm.s32 @p1 $0x5;
	[sflag:s24] =	ssyncadd.s32 $0xFFFFFF80  }
0xac: {  	_ =	swait.ge @p1 [sflag:s5], $0x80  }
0xad: {  	s10 =	simm.s32 @p1 $0x400;
	s9 =	simm.s32 @p1 $0xA;
	[sflag:s5] =	ssyncset.done @p1 $0x0  }
0xae: {  	s11 =	simm.s32 @p1 $0x200;
	[sflag:s5] =	ssyncadd.s32 @p1 $0xFFFFFF80;
	s5 =	simm.s32 @p1 $0x80  }
0xaf: {  	[spmem:s2] =	stream.indirect.scatter.add.f32 @p1 [tilespmem:s10], [sflag:$0xD], $0x1, s11, s5, $0xb8;
	[tilespmem:$0x700] =	vst v63  }
0xb0: {  	_ =	swait.ge @p1 [sflag:s9], $0x80  }
0xb1: {  	s29 =	simm.s32 @!p1 $0x5;
	s11 =	rddreg [dreg:$0x6];
	[sflag:s9] =	ssyncset.done @p1 $0x0  }
0xb2: {  	[sflag:s9] =	ssyncadd.s32 @p1 $0xFFFFFF80;
	s11 =	sadd.s32 @!p1 s4, s11;
	s9 =	simm.s32 @!p1 $0x0  }
0xb3: {  	[tilespmem:s9], [sflag:$0x1] =	stream.linear.gather @!p1 [hbm4b:s11+s9], $0x80, $0x38;
	[tilespmem:$0x700] =	vst v63  }
0xb4: {  	_ =	swait.ge @!p1 [sflag:s29], $0x80  }
0xb5: {  	s30 =	simm.s32 @!p1 $0xA;
	s31 =	simm.s32 @!p1 $0x200;
	[sflag:s29] =	ssyncset.done @!p1 $0x0  }
0xb6: {  	s11 =	simm.s32 @!p1 $0x400;
	[sflag:s29] =	ssyncadd.s32 @!p1 $0xFFFFFF80;
	s29 =	simm.s32 @!p1 $0x80  }
0xb7: {  	[spmem:s2] =	stream.indirect.scatter.add.f32 @!p1 [tilespmem:s11], [sflag:$0xD], $0x1, s31, s29, $0xb8;
	[tilespmem:$0x700] =	vst v63  }
0xb8: {  	_ =	swait.ge @!p1 [sflag:s30], $0x80  }
0xb9: {  	s31 =	rddreg [dreg:$0x5];
	[sflag:s30] =	ssyncset.done @!p1 $0x0  }
0xba: {  	[sflag:s30] =	ssyncadd.s32 @!p1 $0xFFFFFF80;
	s30 =	sadd.s32 @!p1 s4, s31  }
0xbb: {  	[tilespmem:s29], [sflag:$0x2] =	stream.linear.gather @!p1 [hbm4b:s30+s9], $0x80, $0x38;
	[tilespmem:$0x700] =	vst v63  }
0xbc: {  	_ =	swait.ge [sflag:s25], $0x80  }
0xbd: {  	[sflag:s25] =	ssyncset.done $0x0  }
0xbe: {  	[sflag:s25] =	ssyncadd.s32 $0xFFFFFF80  }
0xbf: {  	[spmem:s2] =	stream.indirect.scatter.add.f32 [tilespmem:s18], [sflag:$0xE], $0x1, s19, s14, $0xb8;
	[tilespmem:$0x700] =	vst v63  }
0xc0: {  	_ =	swait.ge [sflag:s26], $0x80  }
0xc1: {  	[sflag:s26] =	ssyncset.done $0x0  }
0xc2: {  	s30 =	simm.s32 @p1 $0x7;
	[sflag:s26] =	ssyncadd.s32 $0xFFFFFF80  }
0xc3: {  	_ =	swait.ge @p1 [sflag:s30], $0x80  }
0xc4: {  	[sflag:s30] =	ssyncset.done @p1 $0x0  }
0xc5: {  	s31 =	simm.s32 @p1 $0xC;
	[sflag:s30] =	ssyncadd.s32 @p1 $0xFFFFFF80;
	s30 =	simm.s32 @p1 $0x300  }
0xc6: {  	[spmem:s2] =	stream.indirect.scatter.add.f32 @p1 [tilespmem:s10], [sflag:$0xF], $0x1, s30, s5, $0xb8;
	[tilespmem:$0x700] =	vst v63  }
0xc7: {  	_ =	swait.ge @p1 [sflag:s31], $0x80  }
0xc8: {  	s10 =	simm.s32 @!p1 $0x7;
	s5 =	rddreg [dreg:$0x4];
	[sflag:s31] =	ssyncset.done @p1 $0x0  }
0xc9: {  	s30 =	simm.s32 @!p1 $0x100;
	[sflag:s31] =	ssyncadd.s32 @p1 $0xFFFFFF80;
	s5 =	sadd.s32 @!p1 s4, s5  }
0xca: {  	[tilespmem:s30], [sflag:$0x3] =	stream.linear.gather @!p1 [hbm4b:s5+s9], $0x80, $0x38;
	[tilespmem:$0x700] =	vst v63  }
0xcb: {  	_ =	swait.ge @!p1 [sflag:s10], $0x80  }
0xcc: {  	s8 =	smov.u32 s7;
	s7 =	sadd.s32 $0x80, s7;
	[sflag:s10] =	ssyncset.done @!p1 $0x0  }
0xcd: {  	s5 =	simm.s32 @!p1 $0x300;
	[sflag:s10] =	ssyncadd.s32 @!p1 $0xFFFFFF80;
	s10 =	simm.s32 @!p1 $0xC  }
0xce: {  	[spmem:s2] =	stream.indirect.scatter.add.f32 @!p1 [tilespmem:s11], [sflag:$0xF], $0x1, s5, s29, $0xb8;
	[tilespmem:$0x700] =	vst v63  }
0xcf: {  	p0 =	sne.s32 s7, $0x500;
	_ =	swait.ge @!p1 [sflag:s10], $0x80  }
.Ltmp0:
0xd0: {  	s5 =	rddreg [dreg:$0x3];
	[sflag:s10] =	ssyncset.done @!p1 $0x0;
	(pc) =	sbr.rel @p0 .LBB2_2-.Ltmp0, $4  }
0xd1: {  	[sflag:s10] =	ssyncadd.s32 @!p1 $0xFFFFFF80;
	s4 =	sadd.s32 @!p1 s4, s5;
	s5 =	simm.s32 @!p1 $0x180  }
0xd2: {  	[tilespmem:s5], [sflag:$0x4] =	stream.linear.gather @!p1 [hbm4b:s4+s9], $0x80, $0x38;
	[tilespmem:$0x700] =	vst v63  }
0xd3: {  	s4 =	smov.u32 s8;
	_ =	swait.ge [sflag:s28], $0x80  }
0xd4: {  	p1 =	seq.s32 s4, $0x0;
	[sflag:s28] =	ssyncset.done $0x0  }
0xd5: {  	s5 =	simm.s32 @!p1 $0xD;
	[sflag:s28] =	ssyncadd.s32 $0xFFFFFF80  }
0xd6: {  	[spmem:s2] =	stream.indirect.scatter.add.f32 [tilespmem:s18], [sflag:$0x10], $0x1, s22, s14, $0xb8;
	[tilespmem:$0x700] =	vst v63  }
0xd7: {  	_ =	swait.ge @!p1 [sflag:s5], $0x80  }
0xd8: {  	s7 =	rddreg [dreg:$0xa];
	[sflag:s5] =	ssyncset.done @!p1 $0x0  }
0xd9: {  	s8 =	rddreg [dreg:$0xb];
	[sflag:s5] =	ssyncadd.s32 @!p1 $0xFFFFFF80;
	s10 =	sadd.s32 s4, s7  }
0xda: {  	[tilespmem:s8], [sflag:$0x5] =	stream.linear.gather [hbm4b:s10+s3], $0x80, $0x38;
	[tilespmem:$0x700] =	vst v63  }
0xdb: {  	_ =	swait.ge [sflag:s17], $0x80  }
0xdc: {  	[sflag:s17] =	ssyncset.done $0x0  }
0xdd: {  	s5 =	simm.s32 @!p1 $0xE;
	[sflag:s17] =	ssyncadd.s32 $0xFFFFFF80  }
0xde: {  	[spmem:s2] =	stream.indirect.scatter.add.f32 [tilespmem:s18], [sflag:$0x9], $0x1, s3, s14, $0xb8;
	[tilespmem:$0x700] =	vst v63  }
0xdf: {  	_ =	swait.ge @!p1 [sflag:s5], $0x80  }
0xe0: {  	s11 =	rddreg [dreg:$0x9];
	[sflag:s5] =	ssyncset.done @!p1 $0x0  }
0xe1: {  	[sflag:s5] =	ssyncadd.s32 @!p1 $0xFFFFFF80;
	s29 =	sadd.s32 s4, s11  }
0xe2: {  	[tilespmem:s19], [sflag:$0x6] =	stream.linear.gather [hbm4b:s29+s3], $0x80, $0x38;
	[tilespmem:$0x700] =	vst v63  }
0xe3: {  	_ =	swait.ge [sflag:s20], $0x80  }
0xe4: {  	[sflag:s20] =	ssyncset.done $0x0  }
0xe5: {  	s5 =	simm.s32 @!p1 $0xF;
	[sflag:s20] =	ssyncadd.s32 $0xFFFFFF80  }
0xe6: {  	[spmem:s2] =	stream.indirect.scatter.add.f32 [tilespmem:s18], [sflag:$0xA], $0x1, s14, s14, $0xb8;
	[tilespmem:$0x700] =	vst v63  }
0xe7: {  	_ =	swait.ge @!p1 [sflag:s5], $0x80  }
0xe8: {  	s30 =	rddreg [dreg:$0x8];
	[sflag:s5] =	ssyncset.done @!p1 $0x0  }
0xe9: {  	s31 =	rddreg [dreg:$0xc];
	[sflag:s5] =	ssyncadd.s32 @!p1 $0xFFFFFF80;
	s7 =	sadd.s32 s4, s30  }
0xea: {  	[tilespmem:s31], [sflag:$0x7] =	stream.linear.gather [hbm4b:s7+s3], $0x80, $0x38;
	[tilespmem:$0x700] =	vst v63  }
0xeb: {  	_ =	swait.ge [sflag:s21], $0x80  }
0xec: {  	[sflag:s21] =	ssyncset.done $0x0  }
0xed: {  	s5 =	simm.s32 @!p1 $0x10;
	[sflag:s21] =	ssyncadd.s32 $0xFFFFFF80  }
0xee: {  	[spmem:s2] =	stream.indirect.scatter.add.f32 [tilespmem:s18], [sflag:$0xB], $0x1, s15, s14, $0xb8;
	[tilespmem:$0x700] =	vst v63  }
0xef: {  	_ =	swait.ge @!p1 [sflag:s5], $0x80  }
0xf0: {  	s8 =	rddreg [dreg:$0x7];
	[sflag:s5] =	ssyncset.done @!p1 $0x0  }
0xf1: {  	[sflag:s5] =	ssyncadd.s32 @!p1 $0xFFFFFF80;
	s9 =	sadd.s32 s4, s8  }
0xf2: {  	[tilespmem:s22], [sflag:$0x8] =	stream.linear.gather [hbm4b:s9+s3], $0x80, $0x38;
	[tilespmem:$0x700] =	vst v63  }
0xf3: {  	_ =	swait.ge [sflag:s23], $0x80  }
0xf4: {  	[sflag:s23] =	ssyncset.done $0x0  }
0xf5: {  	[sflag:s23] =	ssyncadd.s32 $0xFFFFFF80  }
0xf6: {  	[spmem:s2] =	stream.indirect.scatter.add.f32 [tilespmem:s18], [sflag:$0xC], $0x1, s16, s14, $0xb8;
	[tilespmem:$0x700] =	vst v63  }
0xf7: {  	_ =	swait.ge [sflag:s24], $0x80  }
0xf8: {  	p0 =	seq.s32 s4, $0x480;
	[sflag:s24] =	ssyncset.done $0x0  }
0xf9: {  	s5 =	simm.s32 @p0 $0x5;
	[sflag:s24] =	ssyncadd.s32 $0xFFFFFF80  }
0xfa: {  	_ =	swait.ge @p0 [sflag:s5], $0x80  }
0xfb: {  	s7 =	simm.s32 @p0 $0x400;
	s8 =	simm.s32 @p0 $0xA;
	[sflag:s5] =	ssyncset.done @p0 $0x0  }
0xfc: {  	s9 =	simm.s32 @p0 $0x200;
	[sflag:s5] =	ssyncadd.s32 @p0 $0xFFFFFF80;
	s5 =	simm.s32 @p0 $0x80  }
0xfd: {  	[spmem:s2] =	stream.indirect.scatter.add.f32 @p0 [tilespmem:s7], [sflag:$0xD], $0x1, s9, s5, $0xb8;
	[tilespmem:$0x700] =	vst v63  }
0xfe: {  	_ =	swait.ge @p0 [sflag:s8], $0x80  }
0xff: {  	s10 =	simm.s32 @!p0 $0x5;
	s9 =	rddreg [dreg:$0x6];
	[sflag:s8] =	ssyncset.done @p0 $0x0  }
0x100: {  	[sflag:s8] =	ssyncadd.s32 @p0 $0xFFFFFF80;
	s8 =	sadd.s32 @!p0 s4, s9;
	s9 =	simm.s32 @!p0 $0x0  }
0x101: {  	[tilespmem:s9], [sflag:$0x1] =	stream.linear.gather @!p0 [hbm4b:s8+s9], $0x80, $0x38;
	[tilespmem:$0x700] =	vst v63  }
0x102: {  	_ =	swait.ge @!p0 [sflag:s10], $0x80  }
0x103: {  	s11 =	simm.s32 @!p0 $0xA;
	s29 =	simm.s32 @!p0 $0x200;
	[sflag:s10] =	ssyncset.done @!p0 $0x0  }
0x104: {  	s8 =	simm.s32 @!p0 $0x400;
	[sflag:s10] =	ssyncadd.s32 @!p0 $0xFFFFFF80;
	s10 =	simm.s32 @!p0 $0x80  }
0x105: {  	[spmem:s2] =	stream.indirect.scatter.add.f32 @!p0 [tilespmem:s8], [sflag:$0xD], $0x1, s29, s10, $0xb8;
	[tilespmem:$0x700] =	vst v63  }
0x106: {  	_ =	swait.ge @!p0 [sflag:s11], $0x80  }
0x107: {  	s29 =	rddreg [dreg:$0x5];
	[sflag:s11] =	ssyncset.done @!p0 $0x0  }
0x108: {  	[sflag:s11] =	ssyncadd.s32 @!p0 $0xFFFFFF80;
	s11 =	sadd.s32 @!p0 s4, s29  }
0x109: {  	[tilespmem:s10], [sflag:$0x2] =	stream.linear.gather @!p0 [hbm4b:s11+s9], $0x80, $0x38;
	[tilespmem:$0x700] =	vst v63  }
0x10a: {  	_ =	swait.ge [sflag:s25], $0x80  }
0x10b: {  	[sflag:s25] =	ssyncset.done $0x0  }
0x10c: {  	[sflag:s25] =	ssyncadd.s32 $0xFFFFFF80  }
0x10d: {  	[spmem:s2] =	stream.indirect.scatter.add.f32 [tilespmem:s18], [sflag:$0xE], $0x1, s19, s14, $0xb8;
	[tilespmem:$0x700] =	vst v63  }
0x10e: {  	_ =	swait.ge [sflag:s26], $0x80  }
0x10f: {  	[sflag:s26] =	ssyncset.done $0x0  }
0x110: {  	s11 =	simm.s32 @p0 $0x7;
	[sflag:s26] =	ssyncadd.s32 $0xFFFFFF80  }
0x111: {  	_ =	swait.ge @p0 [sflag:s11], $0x80  }
0x112: {  	[sflag:s11] =	ssyncset.done @p0 $0x0  }
0x113: {  	[sflag:s11] =	ssyncadd.s32 @p0 $0xFFFFFF80;
	s11 =	simm.s32 @p0 $0x300  }
0x114: {  	[spmem:s2] =	stream.indirect.scatter.add.f32 @p0 [tilespmem:s7], [sflag:$0xF], $0x1, s11, s5, $0xb8;
	[tilespmem:$0x700] =	vst v63  }
0x115: {  	s5 =	simm.s32 @p0 $0xC  }
0x116: {  	_ =	swait.ge @p0 [sflag:s5], $0x80  }
0x117: {  	s7 =	rddreg [dreg:$0x4];
	[sflag:s5] =	ssyncset.done @p0 $0x0  }
0x118: {  	[sflag:s5] =	ssyncadd.s32 @p0 $0xFFFFFF80;
	s5 =	sadd.s32 @!p0 s4, s7;
	s7 =	simm.s32 @!p0 $0x100  }
0x119: {  	[tilespmem:s7], [sflag:$0x3] =	stream.linear.gather @!p0 [hbm4b:s5+s9], $0x80, $0x38;
	[tilespmem:$0x700] =	vst v63  }
0x11a: {  	s5 =	simm.s32 @!p0 $0x7  }
0x11b: {  	_ =	swait.ge @!p0 [sflag:s5], $0x80  }
0x11c: {  	[sflag:s5] =	ssyncset.done @!p0 $0x0  }
0x11d: {  	[sflag:s5] =	ssyncadd.s32 @!p0 $0xFFFFFF80;
	s5 =	simm.s32 @!p0 $0x300  }
0x11e: {  	[spmem:s2] =	stream.indirect.scatter.add.f32 @!p0 [tilespmem:s8], [sflag:$0xF], $0x1, s5, s10, $0xb8;
	[tilespmem:$0x700] =	vst v63  }
0x11f: {  	s5 =	simm.s32 @!p0 $0xC  }
0x120: {  	_ =	swait.ge @!p0 [sflag:s5], $0x80  }
0x121: {  	s7 =	rddreg [dreg:$0x3];
	[sflag:s5] =	ssyncset.done @!p0 $0x0  }
0x122: {  	[sflag:s5] =	ssyncadd.s32 @!p0 $0xFFFFFF80;
	s4 =	sadd.s32 @!p0 s4, s7;
	s5 =	simm.s32 @!p0 $0x180  }
0x123: {  	[tilespmem:s5], [sflag:$0x4] =	stream.linear.gather @!p0 [hbm4b:s4+s9], $0x80, $0x38;
	[tilespmem:$0x700] =	vst v63  }
0x124: {  	_ =	swait.ge [sflag:s28], $0x80  }
0x125: {  	[sflag:s28] =	ssyncset.done $0x0  }
0x126: {  	s10 =	simm.s32 $0xD;
	[sflag:s28] =	ssyncadd.s32 $0xFFFFFF80  }
0x127: {  	[spmem:s2] =	stream.indirect.scatter.add.f32 [tilespmem:s18], [sflag:$0x10], $0x1, s22, s14, $0xb8;
	[tilespmem:$0x700] =	vst v63  }
0x128: {  	_ =	swait.ge [sflag:s10], $0x80  }
0x129: {  	[sflag:s10] =	ssyncset.done $0x0  }
0x12a: {  	s11 =	simm.s32 $0xE;
	[sflag:s10] =	ssyncadd.s32 $0xFFFFFF80  }
0x12b: {  	_ =	swait.ge [sflag:s11], $0x80  }
0x12c: {  	[sflag:s11] =	ssyncset.done $0x0  }
0x12d: {  	s29 =	simm.s32 $0xF;
	[sflag:s11] =	ssyncadd.s32 $0xFFFFFF80  }
0x12e: {  	_ =	swait.ge [sflag:s29], $0x80  }
0x12f: {  	[sflag:s29] =	ssyncset.done $0x0  }
0x130: {  	[sflag:s29] =	ssyncadd.s32 $0xFFFFFF80  }
0x131: {  	_ =	swait.ge [sflag:s0], $0x80  }
0x132: {  	[sflag:s0] =	ssyncset.done $0x0  }
0x133: {  	[sflag:s0] =	ssyncadd.s32 $0xFFFFFF80  }
0x134: {  	[bflag:$0x0] =	sbarrier.arrive $0xFFFF  }
0x135: {  	s30 =	rddreg [dreg:$0x12]  }
0x136: {  	[hbm:s30], [sflag:s6] =	dma.local [spmem:s12], $0x50  }
0x137: {  	_ =	swait.ge [sflag:s13], $0x50  }
0x138: {  	s1 =	sadd.s32 $0x1, s1;
	s31 =	rddreg [dreg:$0x13]  }
0x139: {  	p0 =	sne.s32 s1, s31  }
.Ltmp1:
0x13a: {  	_ = 	snop;
	(pc) =	sbr.rel @p0 .LBB2_1-.Ltmp1, $3  }
0x13b: {  	_ =	sdelay $0x1  }
0x13c: {  	[sflag:s13] =	ssyncset.done $0x0  }
0x13d: {  	[sflag:s13] =	ssyncadd.s32 $0xFFFFFFB0  }
0x13e: {  	_ =	sfence.sel $0x180000  }
0x13f: {  	[bflag:$0x0] =	sbarrier.arrive $0xFFFF  }
0x140: {  	_ =	strace $0x90000047  }
0x141: {  	s0 =	stileid.u32;
	[bflag:$0x2] =	sbarrier.arrive $0xFFFF  }
0x142: {  	p0 =	sne.s32 s0, $0x0;
	s0 =	rddreg [dreg:$0x2]  }
0x143: {  	s0 =	sadd.s32 @!p0 $0x100000, s0  }
0x144: {  	[sflag:s0] =	ssyncadd.tile.s32 @!p0 $0x1;
	_ =	shalt  }
.Lfunc_end2:
_tile_overlayer_lowered:
.L_overlay_start_2:
0x145: {  	(tag) =	ssettag $0x2  }
0x146: {  	s0 =	rddreg [dreg:$0x0];
	s2 =	stileid.u32  }
0x147: {  	s1 =	rddreg [dreg:$0x1];
	p0 =	sne.s32 s2, $0x0  }
0x148: {  	s3 =	rddreg [dreg:$0x2];
	[bflag:$0x3] =	sbarrier.arrive $0xFFFF;
	s2 =	simm.s32 @!p0 $0x1C11  }
0x149: {  	[timem:s3], [sflag:s2] =	dma.local @!p0 [hbm:s0], s1  }
0x14a: {  	s0 =	simm.s32 @!p0 $0x11  }
0x14b: {  	_ =	swait.ge @!p0 [sflag:s0], s1  }
0x14c: {  	s1 =	ssub.s32 @!p0 $0x0, s1;
	[sflag:s0] =	ssyncset.done @!p0 $0x0  }
0x14d: {  	[sflag:s0] =	ssyncadd.s32 @!p0 s1  }
0x14e: {  	[bflag:$0x3] =	sbarrier.arrive $0xFFFF  }
0x14f: {  	_ =	shalt  }

// kernel: kernel.9.cloned.1.call-start
scs
__scs_entry_jumppad:
0x0: {  	(pc) =	sbr.rel $0x88, $3  }
0x1: {  	(tag) =	ssettag $0x0;
	lr =	simm.s32 $0x1  }
0x2: {  	[smem:$0x3F9D] =	sst lr;
	_ =	strace $0xD0000000  }
0x3: {  	_ = 	snop  }
0x4: {  	_ = 	snop  }
0x5: {  	_ = 	snop  }
0x6: {  	_ = 	snop  }
0x7: {  	_ = 	snop  }
__scs_overlays_trampoline_lowered:
0x8: {  	[smem:$0x3FAC] =	sst s0  }
0x9: {  	[smem:$0x3FAD] =	sst s1  }
0xa: {  	[smem:$0x3FAE] =	sst s2  }
0xb: {  	[smem:$0x3FAF] =	sst s3  }
0xc: {  	[smem:$0x3FB0] =	sst s4  }
0xd: {  	[smem:$0x3FB1] =	sst s5  }
0xe: {  	[smem:$0x3FB2] =	sst s6  }
0xf: {  	[smem:$0x3FB3] =	sst s7  }
0x10: {  	[smem:$0x3FB4] =	sst s8  }
0x11: {  	[smem:$0x3FB5] =	sst s9;
	s0 =	simm.s32 @!p0 $0x0  }
0x12: {  	s1 =	sld [smem:$0x3F9B];
	s0 =	simm.s32 @p0 $0x1  }
0x13: {  	[smem:$0x3FB6] =	sst s0;
	s0 =	simm.s32 @!p1 $0x0  }
0x14: {  	s2 =	sld [smem:$0x3F9A];
	s0 =	simm.s32 @p1 $0x1  }
0x15: {  	[smem:$0x3FB7] =	sst s0;
	s0 =	simm.s32 @!p2 $0x0  }
0x16: {  	s3 =	sld [smem:$0x3FDB];
	s0 =	simm.s32 @p2 $0x1  }
0x17: {  	s4 =	simm.s32 $0x1BF5;
	[smem:$0x3FB9] =	sst s0  }
0x18: {  	s0 =	sld [smem:$0x3F9C];
	_ =	swait.ge [sflag:s4], $0x0  }
0x19: {  	s7 =	sld [smem:$0x3F9D]  }
0x1a: {  	s8 =	sadd.s32 $0xFFFFE003, lr  }
0x1b: {  	s9 =	sadd.s32 $0xFFFFFEF7, lr;
	s5 =	simm.s32 $0xFFFFFFFF;
	p2 =	slt.u32 s8, $0xFFFFF086  }
0x1c: {  	p1 =	slt.u32 s9, $0xF7A;
	s5 =	simm.s32 @!p2 $0x0  }
0x1d: {  	s5 =	simm.s32 @p1 $0x1;
	p0 =	seq.s32 s7, s2  }
0x1e: {  	s7 =	smul.u32 @!p0 $0xF7A, s2;
	p2 =	seq.s32 @!p0 s5, $0x0  }
0x1f: {  	s9 =	smul.u32 $0xF7A, s1;
	s8 =	simm.s32 @!p0 $0x1BF5;
	p2 =	por !p2, p0  }
0x20: {  	[sflag:s8] =	ssyncset.s32 @!p0 $0xFFFFF086;
	s6 =	sadd.s32 @!p0 s3, s7;
	s7 =	simm.s32 @!p0 $0x108  }
0x21: {  	s3 =	sadd.s32 s3, s9;
	s6 =	sadd.s32 @!p0 $0x88, s6;
	s7 =	simm.s32 @p2 $0x1082  }
0x22: {  	[simem:s7], [sflag:s8] =	dma.local @!p0 [hbm:s6], $0xF7A  }
0x23: {  	s9 =	sor.u32 $0xD0000000, s2;
	s6 =	simm.s32 $0x108;
	_ =	swait.ge @!p0 [sflag:s8], $0x0  }
0x24: {  	s3 =	sadd.s32 $0x88, s3;
	s6 =	simm.s32 @!p1 $0x1082;
	[sflag:s4] =	ssyncset.s32 $0xFFFFF086  }
0x25: {  	[simem:s6], [sflag:s4] =	dma.local [hbm:s3], $0xF7A  }
0x26: {  	[smem:$0x3F9D] =	sst s1;
	(tag) =	ssettag s2;
	_ =	strace s9  }
0x27: {  	s1 =	sld [smem:$0x3FAD]  }
0x28: {  	s2 =	sld [smem:$0x3FAE]  }
0x29: {  	s4 =	sld [smem:$0x3FB0]  }
0x2a: {  	p0 =	seq.s32 s5, $0x0;
	s5 =	sld [smem:$0x3FB1]  }
0x2b: {  	s6 =	sld [smem:$0x3FB2]  }
0x2c: {  	s7 =	sld [smem:$0x3FB3]  }
0x2d: {  	s3 =	simm.s32 $0x108;
	s8 =	sld [smem:$0x3FB4]  }
0x2e: {  	s3 =	simm.s32 @!p0 $0x1082;
	s9 =	sld [smem:$0x3FB5]  }
0x2f: {  	lr =	sadd.s32 s0, s3;
	s0 =	sld [smem:$0x3FAC]  }
0x30: {  	s3 =	sld [smem:$0x3FAF]  }
0x31: {  	[smem:$0x3FB8] =	sst s10  }
0x32: {  	s10 =	sld [smem:$0x3FB6];
	_ =	sdelay $0x3  }
0x33: {  	p0 =	seq.s32 s10, $0x1;
	s10 =	sld [smem:$0x3FB8];
	_ =	sdelay $0x3  }
0x34: {  	[smem:$0x3FB8] =	sst s10  }
0x35: {  	s10 =	sld [smem:$0x3FB7];
	_ =	sdelay $0x3  }
0x36: {  	p1 =	seq.s32 s10, $0x1;
	s10 =	sld [smem:$0x3FB8];
	_ =	sdelay $0x3  }
0x37: {  	[smem:$0x3FB8] =	sst s10  }
0x38: {  	s10 =	sld [smem:$0x3FB9]  }
0x39: {  	_ = 	snop;
	(pc) =	sbr.ind lr, $3  }
0x3a: {  	_ = 	snop  }
0x3b: {  	_ = 	snop  }
0x3c: {  	p2 =	seq.s32 s10, $0x1;
	s10 =	sld [smem:$0x3FB8]  }
0x3d: {  	_ =	shalt  }
0x3e: {  	_ =	shalt  }
0x3f: {  	_ =	shalt  }
0x40: {  	_ =	shalt  }
0x41: {  	_ =	shalt  }
0x42: {  	_ =	shalt  }
0x43: {  	_ =	shalt  }
0x44: {  	_ =	shalt  }
0x45: {  	_ =	shalt  }
0x46: {  	_ =	shalt  }
0x47: {  	_ =	shalt  }
0x48: {  	_ =	shalt  }
0x49: {  	_ =	shalt  }
0x4a: {  	_ =	shalt  }
0x4b: {  	_ =	shalt  }
0x4c: {  	_ =	shalt  }
0x4d: {  	_ =	shalt  }
0x4e: {  	_ =	shalt  }
0x4f: {  	_ =	shalt  }
0x50: {  	_ =	shalt  }
0x51: {  	_ =	shalt  }
0x52: {  	_ =	shalt  }
0x53: {  	_ =	shalt  }
0x54: {  	_ =	shalt  }
0x55: {  	_ =	shalt  }
0x56: {  	_ =	shalt  }
0x57: {  	_ =	shalt  }
0x58: {  	_ =	shalt  }
0x59: {  	_ =	shalt  }
0x5a: {  	_ =	shalt  }
0x5b: {  	_ =	shalt  }
0x5c: {  	_ =	shalt  }
0x5d: {  	_ =	shalt  }
0x5e: {  	_ =	shalt  }
0x5f: {  	_ =	shalt  }
0x60: {  	_ =	shalt  }
0x61: {  	_ =	shalt  }
0x62: {  	_ =	shalt  }
0x63: {  	_ =	shalt  }
0x64: {  	_ =	shalt  }
0x65: {  	_ =	shalt  }
0x66: {  	_ =	shalt  }
0x67: {  	_ =	shalt  }
0x68: {  	_ =	shalt  }
0x69: {  	_ =	shalt  }
0x6a: {  	_ =	shalt  }
0x6b: {  	_ =	shalt  }
0x6c: {  	_ =	shalt  }
0x6d: {  	_ =	shalt  }
0x6e: {  	_ =	shalt  }
0x6f: {  	_ =	shalt  }
0x70: {  	_ =	shalt  }
0x71: {  	_ =	shalt  }
0x72: {  	_ =	shalt  }
0x73: {  	_ =	shalt  }
0x74: {  	_ =	shalt  }
0x75: {  	_ =	shalt  }
0x76: {  	_ =	shalt  }
0x77: {  	_ =	shalt  }
0x78: {  	_ =	shalt  }
0x79: {  	_ =	shalt  }
0x7a: {  	_ =	shalt  }
0x7b: {  	_ =	shalt  }
0x7c: {  	_ =	shalt  }
0x7d: {  	_ =	shalt  }
0x7e: {  	_ =	shalt  }
0x7f: {  	_ =	shalt  }
0x80: {  	_ =	shalt  }
0x81: {  	_ =	shalt  }
0x82: {  	_ =	shalt  }
0x83: {  	_ =	shalt  }
0x84: {  	_ =	shalt  }
0x85: {  	_ =	shalt  }
0x86: {  	_ =	shalt  }
0x87: {  	_ =	shalt  }
.Lfunc_end0:
.L_simem_size_0:
called_computation.1_lowered:
.L_overlay_start_0:
0x88: {  	s2 =	sld [smem:$0x3FD9]  }
0x89: {  	s3 =	sld [smem:$0x3FFE];
	_ =	sdelay $0x1  }
0x8a: {  	s1 =	srdreg.scid  }
0x8b: {  	s0 =	sand.u32 $0x1, s1  }
0x8c: {  	s17 =	sshll.u32 s0, $0xA;
	s2 =	sadd.s32 s3, s2  }
0x8d: {  	s2 =	sadd.s32 s2, s17  }
0x8e: {  	[smem:$0x3FC4] =	sst s2  }
0x8f: {  	_ = 	snop  }
0x90: {  	s2 =	sld [smem:$0x3FD0];
	(tm) =	ssettm $0x1  }
0x91: {  	s18 =	sld [smem:$0x3FFB];
	_ =	sdelay $0x3  }
0x92: {  	_ =	strace s18  }
0x93: {  	s3 =	sld [smem:$0x3FFC];
	_ =	sdelay $0x3  }
0x94: {  	_ =	strace s3  }
0x95: {  	s3 =	sld [smem:$0x3FFD];
	_ =	sdelay $0x3  }
0x96: {  	_ =	strace s3  }
0x97: {  	_ =	strace $0x8FFFFFFF  }
0x98: {  	s19 =	sld [smem:$0x3FDB];
	_ =	sdelay $0x1  }
0x99: {  	s4 =	simm.s32 $_scs_section_size  }
0x9a: {  	s5 =	simm.s32 $_size__tile_overlayer_lowered;
	s6 =	simm.s32 $_tile_overlayer_lowered  }
0x9b: {  	s22 =	simm.s32 $0x1BFF;
	s21 =	sshll.u32 s6, $0x1;
	s3 =	sadd.s32 s4, s19  }
0x9c: {  	s7 =	simm.s32 $0x0;
	s20 =	sshll.u32 s5, $0x1;
	s5 =	sadd.s32 s21, s3  }
0x9d: {  	[timem:s7], [sflag:s22] =	dma.local [hbm:s5], s20  }
0x9e: {  	_ =	swait.ge [sflag:s22], s20  }
0x9f: {  	s4 =	ssub.s32 $0x0, s20;
	[sflag:s22] =	ssyncset.done $0x0  }
0xa0: {  	[sflag:s22] =	ssyncadd.s32 s4;
	_ =	sdelay $0x1  }
0xa1: {  	s23 =	simm.s32 $0x1B8B  }
0xa2: {  	_ =	swait.ge [sflag:s23], $0x1  }
0xa3: {  	[sflag:s23] =	ssyncset.done $0x0  }
0xa4: {  	s25 =	simm.s32 $0x1B8E;
	s24 =	sld [smem:$0x3FFE];
	[sflag:s23] =	ssyncadd.s32 $0xFFFFFFFF  }
0xa5: {  	s26 =	simm.s32 $execute0_lowered;
	[smem:$0x3FD2] =	sst s25  }
0xa6: {  	s5 =	sshll.u32 s26, $0x1;
	_ =	strace $0x80000049;
	[dreg:$0x1] =	wrdreg $0xFFFFFFFF  }
0xa7: {  	s28 =	simm.s32 $_size_execute0_lowered;
	s3 =	sadd.s32 s3, s5;
	[dreg:$0x0] =	wrdreg $0x0  }
0xa8: {  	s5 =	sshll.u32 s28, $0x1;
	[dreg:$0x2] =	wrdreg s3  }
0xa9: {  	[dreg:$0x3] =	wrdreg s5  }
0xaa: {  	[dreg:$0x4] =	wrdreg $0xC0  }
0xab: {  	_ =	task [dreg:s7], $0x5FFFF  }
0xac: {  	[dreg:$0x1] =	wrdreg $0xFFFFFFFF  }
0xad: {  	[dreg:$0x0] =	wrdreg $0x60  }
0xae: {  	[dreg:$0x2] =	wrdreg s24  }
0xaf: {  	[dreg:$0x3] =	wrdreg s2  }
0xb0: {  	[dreg:$0x4] =	wrdreg $0x82000  }
0xb1: {  	[dreg:$0x5] =	wrdreg $0x9  }
0xb2: {  	_ =	task.clear_ibuf [dreg:s7], $0x6FFFF;
	_ =	strace $0x90000049  }
0xb3: {  	s29 =	simm.s32 $0x9;
	_ =	strace $0x8000004B  }
0xb4: {  	_ =	swait.ge [sflag:s29], $0x1  }
0xb5: {  	[sflag:s29] =	ssyncadd.s32 $0xFFFFFFFF  }
0xb6: {  	_ =	strace $0x9000004B  }
0xb7: {  	_ =	sfence  }
0xb8: {  	s30 =	sld [smem:$0x0];
	_ =	sdelay $0x2  }
0xb9: {  	s31 =	sshll.u32 s1, $0xD;
	s1 =	sshrl.u32 s1, $0x2  }
0xba: {  	s3 =	sand.u32 $0x4000, s31;
	s1 =	sadd.s32 s1, s30  }
0xbb: {  	s0 =	sor.u32 s3, s0;
	s1 =	sshll.u32 s1, $0x11  }
0xbc: {  	s0 =	sor.u32 s1, s0  }
0xbd: {  	s0 =	sadd.s32 $0x8F2B, s0  }
0xbe: {  	[sflag:s0] =	ssyncadd.remote.s32 $0x1  }
0xbf: {  	_ =	sfence.sel $0xFFFF  }
0xc0: {  	[dreg:$0x0] =	wrdreg $0xFFFFFFFF;
	(pc) =	sbr.abs _section_cstart, $3  }
0xc1: {  	[dreg:$0x1] =	wrdreg $0xFFFFFFFF  }
0xc2: {  	_ =	task.clear_ibuf [dreg:s7], $0x2FFFF;
	_ =	strace $0x9FFFFFFF  }
0xc3: {  	(tm) =	ssettm $0x7FFFFFFF  }
tec
execute0_lowered:
.L_overlay_start_1:
0x0: {  	(tag) =	ssettag $0x1  }
0x1: {  	s0 =	rddreg [dreg:$0x0]  }
0x2: {  	s15 =	rddreg [dreg:$0x1]  }
0x3: {  	s1 =	rddreg [dreg:$0x2]  }
0x4: {  	s3 =	simm.s32 $0x0;
	s2 =	stileid.u32;
	s5 =	srdreg.scid  }
0x5: {  	s28 =	simm.s32 $0x2;
	s29 =	simm.s32 $0x3;
	s30 =	simm.s32 $0x6  }
0x6: {  	s31 =	simm.s32 $0x0;
	[smem:$0x7FF] =	sst s3;
	s4 =	sadd.s32 $0xBC00, s0  }
0x7: {  	s6 =	smul.u32 $0x2800, s2;
	s5 =	sand.u32 $0x1, s5;
	s16 =	sadd.s32 $0x1C00, s0  }
0x8: {  	s10 =	smul.u32 $0x50000, s2;
	s24 =	sshll.u32 s2, $0x6;
	_ =	strace $0x8000004A  }
0x9: {  	s7 =	smul.u32 $0x28000, s5;
	s8 =	sshll.u32 s5, $0x4;
	s5 =	ssub.s32 $0x2, s5  }
0xa: {  	s9 =	sadd.s32 s6, s0;
	s8 =	sor.u32 s2, s8;
	s20 =	sshrl.u32 s5, $0x1  }
0xb: {  	s21 =	sshrl.u32 s10, $0x2;
	s14 =	sadd.s32 s6, s7;
	s19 =	smul.u32 $0x2800, s8  }
0xc: {  	s11 =	ssub.s32 s5, s20;
	s17 =	sadd.s32 s21, s1;
	s23 =	sadd.s32 $0x33C00, s9  }
0xd: {  	s7 =	sor.u32 $0x1C07, s24;
	s20 =	simm.s32 $0x80;
	s21 =	simm.s32 $0x200  }
0xe: {  	s24 =	simm.s32 $0x4200;
	s0 =	sadd.s32 s14, s0;
	[dreg:$0x4] =	wrdreg s23  }
0xf: {  	s11 =	smax.u32 s11, $0x1;
	s25 =	sor.u32 $0x100, s14;
	s18 =	sor.u32 $0x180, s14  }
0x10: {  	s17 =	sshrl.u32 s17, $0x3;
	s23 =	simm.s32 $0x4;
	s22 =	sshrl.u32 s19, $0x3  }
0x11: {  	s10 =	sadd.s32 $0x5BC00, s0;
	s0 =	sshrl.u32 s25, $0x3;
	s18 =	sshrl.u32 s18, $0x3  }
0x12: {  	s19 =	sor.u32 $0x80, s14;
	s25 =	simm.s32 $0x180;
	s6 =	sadd.s32 s15, s22  }
0x13: {  	s8 =	sadd.s32 s16, s22;
	s13 =	sadd.s32 s0, s16;
	s14 =	sadd.s32 s0, s15  }
0x14: {  	s15 =	sadd.s32 s18, s15;
	s26 =	sshrl.u32 s19, $0x3;
	s18 =	simm.s32 $0x7  }
0x15: {  	s19 =	simm.s32 $0x100;
	s22 =	simm.s32 $0x1;
	s9 =	sadd.s32 $0x10, s6  }
0x16: {  	s12 =	sadd.s32 $0x4F0, s8;
	s16 =	sadd.s32 s26, s16;
	s26 =	simm.s32 $0x5  }
.LBB2_1:
0x17: {  	s0 =	rddreg [dreg:$0x4]  }
0x18: {  	[spmem:s17], [sflag:s7] =	dma.local [hbm:s0], $0x2800  }
0x19: {  	_ =	swait.ge [sflag:s18], $0x2800  }
0x1a: {  	[sflag:s18] =	ssyncset.done $0x0  }
0x1b: {  	[sflag:s18] =	ssyncadd.s32 $0xFFFFD800  }
0x1c: {  	[bflag:$0x0] =	sbarrier.arrive $0xFFFF  }
0x1d: {  	[tilespmem:s3], [sflag:$0x7] =	stream.linear.gather [hbm4b:s6+s3], $0x80, $0x38;
	[tilespmem:$0x1C200] =	vst v63  }
0x1e: {  	_ =	swait.ge [sflag:s18], $0x80  }
0x1f: {  	[sflag:s18] =	ssyncset.done $0x0  }
0x20: {  	[sflag:s18] =	ssyncadd.s32 $0xFFFFFF80  }
0x21: {  	[tilespmem:s19], [sflag:$0x5] =	stream.linear.gather [hbm4b:s8+s3], $0x80, $0x38;
	[tilespmem:$0x1C200] =	vst v63  }
0x22: {  	_ = 	snop  }
0x23: {  	[tilespmem:s21], [sflag:$0x1] =	stream.indirect.gather [hbm4b:s4+s20], $0x80, s3, s20, $0xb8;
	[tilespmem:$0x1C200] =	vst v63  }
0x24: {  	_ = 	snop  }
0x25: {  	[tilespmem:s20], [sflag:$0x4] =	stream.linear.gather [hbm4b:s9+s3], $0x80, $0x38;
	[tilespmem:$0x1C200] =	vst v63  }
0x26: {  	_ =	swait.ge [sflag:s22], $0x4000  }
0x27: {  	[sflag:s22] =	ssyncset.done $0x0  }
0x28: {  	s2 =	sadd.s32 $0x0, s14;
	[sflag:s22] =	ssyncadd.s32 $0xFFFFC000  }
0x29: {  	[tilespmem:s3], [sflag:$0x3] =	stream.linear.gather [hbm4b:s2+s3], $0x80, $0x38;
	[tilespmem:$0x1C200] =	vst v63  }
0x2a: {  	_ =	swait.ge [sflag:s23], $0x80  }
0x2b: {  	[sflag:s23] =	ssyncset.done $0x0  }
0x2c: {  	[sflag:s23] =	ssyncadd.s32 $0xFFFFFF80  }
0x2d: {  	[tilespmem:s24], [sflag:$0x2] =	stream.indirect.gather [hbm4b:s4+s20], $0x80, s20, s20, $0xb8;
	[tilespmem:$0x1C200] =	vst v63  }
0x2e: {  	s5 =	sadd.s32 $0x0, s16  }
0x2f: {  	[tilespmem:s25], [sflag:$0x6] =	stream.linear.gather [hbm4b:s5+s3], $0x80, $0x38;
	[tilespmem:$0x1C200] =	vst v63  }
0x30: {  	_ =	swait.ge [sflag:s26], $0x80  }
0x31: {  	[sflag:s26] =	ssyncset.done $0x0  }
0x32: {  	[sflag:s26] =	ssyncadd.s32 $0xFFFFFF80  }
0x33: {  	[spmem:s1] =	stream.indirect.scatter.add.f32 [tilespmem:s21], [sflag:$0x7], $0x80, s19, s20, $0xb8;
	[tilespmem:$0x1C200] =	vst v63  }
0x34: {  	_ =	swait.ge [sflag:s18], $0x4000  }
0x35: {  	[sflag:s18] =	ssyncset.done $0x0  }
0x36: {  	[sflag:s18] =	ssyncadd.s32 $0xFFFFC000  }
0x37: {  	_ =	swait.ge [sflag:s28], $0x4000  }
0x38: {  	[sflag:s28] =	ssyncset.done $0x0  }
0x39: {  	s2 =	sadd.s32 $0x0, s15;
	[sflag:s28] =	ssyncadd.s32 $0xFFFFC000  }
0x3a: {  	[tilespmem:s20], [sflag:$0x4] =	stream.linear.gather [hbm4b:s2+s3], $0x80, $0x38;
	[tilespmem:$0x1C200] =	vst v63  }
0x3b: {  	_ =	swait.ge [sflag:s29], $0x80  }
0x3c: {  	[sflag:s29] =	ssyncset.done $0x0  }
0x3d: {  	[sflag:s29] =	ssyncadd.s32 $0xFFFFFF80  }
0x3e: {  	[tilespmem:s21], [sflag:$0x1] =	stream.indirect.gather [hbm4b:s4+s20], $0x80, s3, s20, $0xb8;
	[tilespmem:$0x1C200] =	vst v63  }
0x3f: {  	s5 =	sadd.s32 $0x0, s13  }
0x40: {  	[tilespmem:s19], [sflag:$0x5] =	stream.linear.gather [hbm4b:s5+s3], $0x80, $0x38;
	[tilespmem:$0x1C200] =	vst v63  }
0x41: {  	_ =	swait.ge [sflag:s30], $0x80  }
0x42: {  	[sflag:s30] =	ssyncset.done $0x0  }
0x43: {  	[sflag:s30] =	ssyncadd.s32 $0xFFFFFF80  }
0x44: {  	[spmem:s1] =	stream.indirect.scatter.add.f32 [tilespmem:s24], [sflag:$0x7], $0x80, s25, s20, $0xb8;
	[tilespmem:$0x1C200] =	vst v63  }
0x45: {  	_ =	swait.ge [sflag:s18], $0x4000  }
0x46: {  	s0 =	simm.s32 $0x20;
	[sflag:s18] =	ssyncset.done $0x0  }
.LBB2_2:
0x47: {  	p0 =	sne.s32 s0, $0x4C0  }
0x48: {  	[sflag:s18] =	ssyncadd.s32 $0xFFFFC000;
	s2 =	smov.u32 s0;
	s0 =	sadd.s32 $0x20, s0  }
0x49: {  	_ =	swait.ge [sflag:s22], $0x4000  }
0x4a: {  	[sflag:s22] =	ssyncset.done $0x0  }
0x4b: {  	s5 =	sadd.s32 s2, s14;
	[sflag:s22] =	ssyncadd.s32 $0xFFFFC000  }
0x4c: {  	[tilespmem:s3], [sflag:$0x3] =	stream.linear.gather [hbm4b:s5+s3], $0x80, $0x38;
	[tilespmem:$0x1C200] =	vst v63  }
0x4d: {  	_ =	swait.ge [sflag:s23], $0x80  }
0x4e: {  	[sflag:s23] =	ssyncset.done $0x0  }
0x4f: {  	[sflag:s23] =	ssyncadd.s32 $0xFFFFFF80  }
0x50: {  	[tilespmem:s24], [sflag:$0x2] =	stream.indirect.gather [hbm4b:s4+s20], $0x80, s20, s20, $0xb8;
	[tilespmem:$0x1C200] =	vst v63  }
0x51: {  	s5 =	sadd.s32 s2, s16  }
0x52: {  	[tilespmem:s25], [sflag:$0x6] =	stream.linear.gather [hbm4b:s5+s3], $0x80, $0x38;
	[tilespmem:$0x1C200] =	vst v63  }
0x53: {  	_ =	swait.ge [sflag:s26], $0x80  }
0x54: {  	[sflag:s26] =	ssyncset.done $0x0  }
0x55: {  	[sflag:s26] =	ssyncadd.s32 $0xFFFFFF80  }
0x56: {  	[spmem:s1] =	stream.indirect.scatter.add.f32 [tilespmem:s21], [sflag:$0x7], $0x80, s19, s20, $0xb8;
	[tilespmem:$0x1C200] =	vst v63  }
0x57: {  	_ =	swait.ge [sflag:s18], $0x4000  }
0x58: {  	[sflag:s18] =	ssyncset.done $0x0  }
0x59: {  	[sflag:s18] =	ssyncadd.s32 $0xFFFFC000  }
0x5a: {  	_ =	swait.ge [sflag:s28], $0x4000  }
0x5b: {  	[sflag:s28] =	ssyncset.done $0x0  }
0x5c: {  	s5 =	sadd.s32 s2, s15;
	[sflag:s28] =	ssyncadd.s32 $0xFFFFC000  }
0x5d: {  	[tilespmem:s20], [sflag:$0x4] =	stream.linear.gather [hbm4b:s5+s3], $0x80, $0x38;
	[tilespmem:$0x1C200] =	vst v63  }
0x5e: {  	_ =	swait.ge [sflag:s29], $0x80  }
0x5f: {  	[sflag:s29] =	ssyncset.done $0x0  }
0x60: {  	[sflag:s29] =	ssyncadd.s32 $0xFFFFFF80  }
0x61: {  	[tilespmem:s21], [sflag:$0x1] =	stream.indirect.gather [hbm4b:s4+s20], $0x80, s3, s20, $0xb8;
	[tilespmem:$0x1C200] =	vst v63  }
0x62: {  	s2 =	sadd.s32 s2, s13  }
0x63: {  	[tilespmem:s19], [sflag:$0x5] =	stream.linear.gather [hbm4b:s2+s3], $0x80, $0x38;
	[tilespmem:$0x1C200] =	vst v63  }
0x64: {  	_ =	swait.ge [sflag:s30], $0x80  }
.Ltmp0:
0x65: {  	[sflag:s30] =	ssyncset.done $0x0;
	(pc) =	sbr.rel @p0 .LBB2_2-.Ltmp0, $4  }
0x66: {  	[sflag:s30] =	ssyncadd.s32 $0xFFFFFF80  }
0x67: {  	[spmem:s1] =	stream.indirect.scatter.add.f32 [tilespmem:s24], [sflag:$0x7], $0x80, s25, s20, $0xb8;
	[tilespmem:$0x1C200] =	vst v63  }
0x68: {  	_ =	swait.ge [sflag:s18], $0x4000  }
0x69: {  	[sflag:s18] =	ssyncset.done $0x0  }
0x6a: {  	[sflag:s18] =	ssyncadd.s32 $0xFFFFC000  }
0x6b: {  	_ =	swait.ge [sflag:s22], $0x4000  }
0x6c: {  	[sflag:s22] =	ssyncset.done $0x0  }
0x6d: {  	[sflag:s22] =	ssyncadd.s32 $0xFFFFC000  }
0x6e: {  	_ =	swait.ge [sflag:s23], $0x80  }
0x6f: {  	[sflag:s23] =	ssyncset.done $0x0  }
0x70: {  	[sflag:s23] =	ssyncadd.s32 $0xFFFFFF80  }
0x71: {  	[tilespmem:s24], [sflag:$0x2] =	stream.indirect.gather [hbm4b:s4+s20], $0x80, s20, s20, $0xb8;
	[tilespmem:$0x1C200] =	vst v63  }
0x72: {  	_ = 	snop  }
0x73: {  	[tilespmem:s25], [sflag:$0x6] =	stream.linear.gather [hbm4b:s12+s3], $0x80, $0x38;
	[tilespmem:$0x1C200] =	vst v63  }
0x74: {  	_ =	swait.ge [sflag:s26], $0x80  }
0x75: {  	[sflag:s26] =	ssyncset.done $0x0  }
0x76: {  	[sflag:s26] =	ssyncadd.s32 $0xFFFFFF80  }
0x77: {  	[spmem:s1] =	stream.indirect.scatter.add.f32 [tilespmem:s21], [sflag:$0x7], $0x80, s19, s20, $0xb8;
	[tilespmem:$0x1C200] =	vst v63  }
0x78: {  	_ =	swait.ge [sflag:s18], $0x4000  }
0x79: {  	[sflag:s18] =	ssyncset.done $0x0  }
0x7a: {  	[sflag:s18] =	ssyncadd.s32 $0xFFFFC000  }
0x7b: {  	_ =	swait.ge [sflag:s28], $0x4000  }
0x7c: {  	[sflag:s28] =	ssyncset.done $0x0  }
0x7d: {  	[sflag:s28] =	ssyncadd.s32 $0xFFFFC000  }
0x7e: {  	_ =	swait.ge [sflag:s30], $0x80  }
0x7f: {  	[sflag:s30] =	ssyncset.done $0x0  }
0x80: {  	[sflag:s30] =	ssyncadd.s32 $0xFFFFFF80  }
0x81: {  	[spmem:s1] =	stream.indirect.scatter.add.f32 [tilespmem:s24], [sflag:$0x7], $0x80, s25, s20, $0xb8;
	[tilespmem:$0x1C200] =	vst v63  }
0x82: {  	_ =	swait.ge [sflag:s18], $0x4000  }
0x83: {  	s31 =	sadd.s32 $0x1, s31;
	[sflag:s18] =	ssyncset.done $0x0  }
0x84: {  	p0 =	sne.s32 s31, s11;
	[sflag:s18] =	ssyncadd.s32 $0xFFFFC000  }
.Ltmp1:
0x85: {  	[bflag:$0x0] =	sbarrier.arrive $0xFFFF;
	(pc) =	sbr.rel @p0 .LBB2_1-.Ltmp1, $4  }
0x86: {  	[hbm:s10], [sflag:s7] =	dma.local [spmem:s17], $0x2800  }
0x87: {  	_ =	swait.ge [sflag:s18], $0x2800  }
0x88: {  	[sflag:s18] =	ssyncset.done $0x0  }
0x89: {  	[sflag:s18] =	ssyncadd.s32 $0xFFFFD800  }
0x8a: {  	_ =	sfence.sel $0x180000  }
0x8b: {  	[bflag:$0x0] =	sbarrier.arrive $0xFFFF  }
0x8c: {  	_ =	strace $0x9000004A  }
0x8d: {  	s0 =	stileid.u32;
	[bflag:$0x2] =	sbarrier.arrive $0xFFFF  }
0x8e: {  	p0 =	sne.s32 s0, $0x0;
	s0 =	rddreg [dreg:$0x3]  }
0x8f: {  	s0 =	sadd.s32 @!p0 $0x100000, s0  }
0x90: {  	[sflag:s0] =	ssyncadd.tile.s32 @!p0 $0x1;
	_ =	shalt  }
.Lfunc_end2:
_tile_overlayer_lowered:
.L_overlay_start_2:
0x91: {  	(tag) =	ssettag $0x2  }
0x92: {  	s0 =	rddreg [dreg:$0x0];
	s2 =	stileid.u32  }
0x93: {  	s1 =	rddreg [dreg:$0x1];
	p0 =	sne.s32 s2, $0x0  }
0x94: {  	s3 =	rddreg [dreg:$0x2];
	[bflag:$0x3] =	sbarrier.arrive $0xFFFF;
	s2 =	simm.s32 @!p0 $0x1C07  }
0x95: {  	[timem:s3], [sflag:s2] =	dma.local @!p0 [hbm:s0], s1  }
0x96: {  	s0 =	simm.s32 @!p0 $0x7  }
0x97: {  	_ =	swait.ge @!p0 [sflag:s0], s1  }
0x98: {  	s1 =	ssub.s32 @!p0 $0x0, s1;
	[sflag:s0] =	ssyncset.done @!p0 $0x0  }
0x99: {  	[sflag:s0] =	ssyncadd.s32 @!p0 s1  }
0x9a: {  	[bflag:$0x3] =	sbarrier.arrive $0xFFFF  }
0x9b: {  	_ =	shalt  }

</sc_bundles>
